<compile_context>
chip_gen: v7x
topology: tpu7x:2x2x1
jax: 0.10.2.dev20260603
libtpu: 0.0.44.dev20260713+nightly
codegen_flags: <defaults>
</compile_context>

<pallas_src>
import functools

import jax
import jax.numpy as jnp
from jax import lax
from jax.experimental import pallas as pl
from jax.experimental.pallas import tpu as pltpu
from jax.experimental.pallas import tpu_sc as plsc

_NW = 32


def _route_topk2(scores_w, n, b):
    pts = b // _NW
    ngrp = pts // 16
    nc = 2
    mesh = plsc.VectorSubcoreMesh(core_axis_name="c", subcore_axis_name="s")

    @functools.partial(
        pl.kernel, mesh=mesh,
        out_type=(jax.ShapeDtypeStruct((b,), jnp.int32),
                  jax.ShapeDtypeStruct((b,), jnp.int32)),
        scratch_types=[
            pltpu.VMEM((n, pts), jnp.float32),
            pltpu.VMEM((pts,), jnp.int32),
            pltpu.VMEM((pts,), jnp.int32),
        ],
    )
    def k(scores_hbm, i1_hbm, i2_hbm, s_v, i1_v, i2_v):
        wid = lax.axis_index("s") * nc + lax.axis_index("c")
        base = wid * pts
        pltpu.sync_copy(scores_hbm.at[wid], s_v)

        neg = jnp.full((16,), jnp.int32(-2147483648), jnp.int32)
        zero = jnp.zeros((16,), jnp.int32)
        for g in range(ngrp):
            def body(e, carry):
                m1, i1, m2, i2 = carry
                v = s_v[e, pl.ds(g * 16, 16)]
                vb = jax.lax.bitcast_convert_type(v, jnp.int32)
                key = jnp.where(vb < 0, vb ^ jnp.int32(0x7FFFFFFF), vb)
                ev = jnp.full((16,), e, jnp.int32)
                gt1 = key > m1
                gt2 = key > m2
                m2n = jnp.where(gt1, m1, jnp.where(gt2, key, m2))
                i2n = jnp.where(gt1, i1, jnp.where(gt2, ev, i2))
                m1n = jnp.where(gt1, key, m1)
                i1n = jnp.where(gt1, ev, i1)
                return m1n, i1n, m2n, i2n

            _, i1, _, i2 = lax.fori_loop(0, n, body, (neg, zero, neg, zero))
            i1_v[pl.ds(g * 16, 16)] = i1
            i2_v[pl.ds(g * 16, 16)] = i2

        pltpu.sync_copy(i1_v, i1_hbm.at[pl.ds(base, pts)])
        pltpu.sync_copy(i2_v, i2_hbm.at[pl.ds(base, pts)])

    return k(scores_w)


def _expert_step(i1_ref, i2_ref, x_ref,
                 w1, b1, w2, b2, w3, b3, w4, b4,
                 fw, fb, dw, db, sw, sb, rw, rb,
                 out_ref, *, cxyz):
    e = pl.program_id(0)
    xyz = x_ref[:, :cxyz]
    xdir = x_ref[:, cxyz:]
    f32 = jnp.float32

    def mm(a, wref):
        return jnp.dot(a, wref[0], preferred_element_type=f32)

    h = jax.nn.relu(mm(xyz, w1) + b1[0])
    h = jax.nn.relu(mm(h, w2) + b2[0])
    h = jax.nn.relu(mm(h, w3) + b3[0])
    h = jax.nn.relu(mm(h, w4) + b4[0])

    hdim = fw.shape[1]
    whalf = dw.shape[1] - xdir.shape[1]
    dwh = dw[0][:hdim, :]
    cwe = jnp.dot(fw[0], dwh, preferred_element_type=f32)
    cbe = jnp.dot(fb[0], dwh, preferred_element_type=f32) + db[0]
    cwe2 = jnp.concatenate([cwe, sw[0]], axis=1)
    cbe2 = jnp.concatenate([cbe, sb[0] - 1.0], axis=1)
    nout = cwe.shape[1]
    t = jnp.dot(h, cwe2, preferred_element_type=f32) + cbe2
    dire = jax.nn.relu(
        t[:, :nout]
        + jnp.dot(xdir, dw[0][hdim:, :], preferred_element_type=f32))
    sigma = jax.nn.softplus(t[:, nout:])
    rgb = jax.nn.sigmoid(mm(dire, rw) + rb[0])

    contrib = jnp.concatenate([rgb, sigma], axis=1)
    out_ref[0] = jnp.where(i1_ref[...] == e, contrib, out_ref[0])
    out_ref[1] = jnp.where(i2_ref[...] == e, contrib, out_ref[1])


def _moe_mlp(i1, i2, x, ws, n, b, cxyz):
    (w1, b1, w2, b2, w3, b3, w4, b4, fw, fb, dw, db, sw, sb, rw, rb) = ws
    w = w1.shape[2]
    whalf = dw.shape[2]

    def wspec(i, o):
        return pl.BlockSpec((1, i, o), lambda e: (e, 0, 0))

    def bspec(o):
        return pl.BlockSpec((1, 1, o), lambda e: (e, 0, 0))

    def full2(arr):
        return pl.BlockSpec(arr.shape, lambda e: (0, 0))

    return pl.pallas_call(
        functools.partial(_expert_step, cxyz=cxyz),
        grid=(n,),
        in_specs=[
            full2(i1), full2(i2), full2(x),
            wspec(cxyz, w), bspec(w),
            wspec(w, w), bspec(w),
            wspec(w, w), bspec(w),
            wspec(w, w), bspec(w),
            wspec(w, w), bspec(w),
            wspec(w + x.shape[1] - cxyz, whalf), bspec(whalf),
            wspec(w, 1), bspec(1),
            wspec(whalf, rw.shape[2]), bspec(rw.shape[2]),
        ],
        out_specs=pl.BlockSpec((2, b, 4), lambda e: (0, 0, 0)),
        out_shape=jax.ShapeDtypeStruct((2, b, 4), jnp.float32),
        compiler_params=pltpu.CompilerParams(
            dimension_semantics=("arbitrary",),
        ),
    )(i1, i2, x, w1, b1, w2, b2, w3, b3, w4, b4,
      fw, fb, dw, db, sw, sb, rw, rb)


def kernel(x, rbfs, xyz_w_1, xyz_b_1, xyz_w_2, xyz_b_2, xyz_w_3, xyz_b_3,
           xyz_w_4, xyz_b_4, final_w, final_b, dir_w, dir_b, sigma_w,
           sigma_b, rgb_w, rgb_b):
    n, b, _ = rbfs.shape
    cxyz = xyz_w_1.shape[1]

    scores_w = jnp.transpose(
        jnp.squeeze(rbfs, -1).reshape(n, _NW, b // _NW), (1, 0, 2))
    i1, i2 = _route_topk2(scores_w, n, b)

    (xyz_b_1, xyz_b_2, xyz_b_3, xyz_b_4, final_b, dir_b, sigma_b, rgb_b) = (
        a[:, None, :] for a in (xyz_b_1, xyz_b_2, xyz_b_3, xyz_b_4,
                                final_b, dir_b, sigma_b, rgb_b))

    ws = (xyz_w_1, xyz_b_1, xyz_w_2, xyz_b_2, xyz_w_3, xyz_b_3,
          xyz_w_4, xyz_b_4, final_w, final_b, dir_w, dir_b,
          sigma_w, sigma_b, rgb_w, rgb_b)
    return _moe_mlp(i1.reshape(b, 1), i2.reshape(b, 1), x, ws, n, b, cxyz)

# --- scband reference (transcript-rebuilt; emitter-appended) ---
"""Pipeline reference for scband-nerflets-24223615549820 (READ-ONLY COPY).

The authoritative reference and input builder live on the scoring server;
editing this copy changes nothing except your own understanding.
"""

import jax, jax.numpy as jnp
import numpy as np

N = 64
D = 4
W = 128
TOPK = 2
B = 2048
CXYZ = 63
CDIR = 27


def _act(h, kind):
    if kind == 'relu':
        return jax.nn.relu(h)
    if kind == 'sigmoid':
        return jax.nn.sigmoid(h)
    if kind == 'ssoftplus':
        return jax.nn.softplus(h - 1.0)
    return h


def _stacked_fc(x, w, b, idx, kind):
    # gather per-point expert weights: w[idx] -> (B, K, in, out), b[idx] -> (B, K, out)
    wg = jnp.take(w, idx, axis=0)
    bg = jnp.take(b, idx, axis=0)
    if x.ndim == 2:
        h = jnp.einsum('bi,bkio->bko', x, wg) + bg
    else:
        h = jnp.einsum('bki,bkio->bko', x, wg) + bg
    return _act(h, kind)


def setup_inputs(seed: int = 0):
    key = jax.random.key(seed)
    c = [0]
    def nk():
        c[0] += 1
        return jax.random.fold_in(key, c[0])
    inp = {}
    inp['x'] = jax.random.normal(nk(), (B, CXYZ + CDIR), dtype=jnp.float32)
    inp['rbfs'] = jax.random.normal(nk(), (N, B, 1), dtype=jnp.float32)
    dims_in = [CXYZ] + [W] * (D - 1)
    for i in range(D):
        inp['xyz_w_%d' % (i + 1)] = jax.random.normal(nk(), (N, dims_in[i], W), dtype=jnp.float32) * (2.0 / dims_in[i]) ** 0.5
        inp['xyz_b_%d' % (i + 1)] = jnp.zeros((N, W), dtype=jnp.float32)
    inp['final_w'] = jax.random.normal(nk(), (N, W, W), dtype=jnp.float32) * (1.0 / W) ** 0.5
    inp['final_b'] = jnp.zeros((N, W), dtype=jnp.float32)
    inp['dir_w'] = jax.random.normal(nk(), (N, W + CDIR, W // 2), dtype=jnp.float32) * (2.0 / (W + CDIR)) ** 0.5
    inp['dir_b'] = jnp.zeros((N, W // 2), dtype=jnp.float32)
    inp['sigma_w'] = jax.random.normal(nk(), (N, W, 1), dtype=jnp.float32) * (1.0 / W) ** 0.5
    inp['sigma_b'] = jnp.zeros((N, 1), dtype=jnp.float32)
    inp['rgb_w'] = jax.random.normal(nk(), (N, W // 2, 3), dtype=jnp.float32) * (1.0 / (W // 2)) ** 0.5
    inp['rgb_b'] = jnp.zeros((N, 3), dtype=jnp.float32)
    return inp


def reference(x, rbfs, xyz_w_1, xyz_b_1, xyz_w_2, xyz_b_2, xyz_w_3, xyz_b_3,
              xyz_w_4, xyz_b_4, final_w, final_b, dir_w, dir_b, sigma_w,
              sigma_b, rgb_w, rgb_b):
    params = {
        'xyz_w_1': xyz_w_1, 'xyz_b_1': xyz_b_1,
        'xyz_w_2': xyz_w_2, 'xyz_b_2': xyz_b_2,
        'xyz_w_3': xyz_w_3, 'xyz_b_3': xyz_b_3,
        'xyz_w_4': xyz_w_4, 'xyz_b_4': xyz_b_4,
        'final_w': final_w, 'final_b': final_b,
        'dir_w': dir_w, 'dir_b': dir_b,
        'sigma_w': sigma_w, 'sigma_b': sigma_b,
        'rgb_w': rgb_w, 'rgb_b': rgb_b,
    }
    # rbfs: (N, B, 1) -> squeeze(-1).transpose(0, 1) -> (B, N); top-k experts per point
    scores = jnp.transpose(jnp.squeeze(rbfs, -1), (1, 0))
    _, idx = jax.lax.top_k(scores, TOPK)
    input_xyz = x[:, :CXYZ]
    input_dir = x[:, CXYZ:]
    h = input_xyz
    for i in range(D):
        h = _stacked_fc(h, params['xyz_w_%d' % (i + 1)], params['xyz_b_%d' % (i + 1)], idx, 'relu')
    sigma = _stacked_fc(h, params['sigma_w'], params['sigma_b'], idx, 'ssoftplus')
    final = _stacked_fc(h, params['final_w'], params['final_b'], idx, 'none')
    dir_exp = jnp.broadcast_to(input_dir[:, None, :], (B, TOPK, CDIR))
    dire = _stacked_fc(jnp.concatenate([final, dir_exp], axis=-1), params['dir_w'], params['dir_b'], idx, 'relu')
    rgb = _stacked_fc(dire, params['rgb_w'], params['rgb_b'], idx, 'sigmoid')
    out = jnp.concatenate([rgb, sigma], axis=-1)
    # (B, K, 4) -> (K, B, 4), matching out.transpose(0, 1) in the torch code
    return jnp.transpose(out, (1, 0, 2))

if __name__ == "__main__":
    import jax
    _d = setup_inputs()
    print(jax.jit(kernel)(*tuple(_d.values())))

</pallas_src>

<mosaic_0001>
#map = affine_map<(d0, d1) -> (0, 0, 0)>
#map1 = affine_map<(d0, d1) -> (0)>
module attributes {stable_mosaic.version = 14 : i64} {
  func.func @k(%arg0: i32, %arg1: i32, %arg2: memref<32x64x64xf32, #tpu.memory_space<hbm>>, %arg3: memref<2048xi32, #tpu.memory_space<hbm>>, %arg4: memref<2048xi32, #tpu.memory_space<hbm>>, %arg5: memref<64x64xf32, #tpu.memory_space<vmem>>, %arg6: memref<64xi32, #tpu.memory_space<vmem>>, %arg7: memref<64xi32, #tpu.memory_space<vmem>>) attributes {dimension_semantics = [#tpu.dimension_semantics<core_parallel>, #tpu.dimension_semantics<subcore_parallel>], iteration_bounds = array<i64: 2, 16>, scalar_prefetch = 0 : i64, scratch_operands = 3 : i64, tpu.core_type = #tpu.core_type<sc_vector_subcore>, window_params = [{transform_indices = #map}, {transform_indices = #map1}, {transform_indices = #map1}]} {
    %mul3A = arith.constant 2 : i32
    %mul3A_0 = arith.muli %arg1, %mul3A : i32
    %add3A = arith.addi %mul3A_0, %arg0 : i32
    %mul3A_1 = arith.constant 64 : i32
    %mul3A_2 = arith.muli %add3A, %mul3A_1 : i32
    "tpu.region"() ({
      %run_scoped3A = tpu.sem_alloc : memref<!tpu.dma_semaphore, #tpu.memory_space<semaphore_mem>>
      %dma_start3A = arith.constant 0 : i32
      %dma_start3A_60 = arith.constant 0 : i32
      %dma_start3A_61 = tpu.memref_slice %arg2[%add3A, %dma_start3A, %dma_start3A_60] : memref<32x64x64xf32, #tpu.memory_space<hbm>> -> memref<1x64x64xf32, #tpu.memory_space<hbm>>
      %dma_start3A_62 = tpu.memref_squeeze %dma_start3A_61 : memref<1x64x64xf32, #tpu.memory_space<hbm>> -> memref<64x64xf32, #tpu.memory_space<hbm>>
      %dma_start3A_63 = arith.constant 0 : i32
      %dma_start3A_64 = arith.constant 0 : i32
      %dma_start3A_65 = tpu.memref_slice %arg2[%add3A, %dma_start3A_63, %dma_start3A_64] : memref<32x64x64xf32, #tpu.memory_space<hbm>> -> memref<1x64x64xf32, #tpu.memory_space<hbm>>
      %dma_start3A_66 = tpu.memref_squeeze %dma_start3A_65 : memref<1x64x64xf32, #tpu.memory_space<hbm>> -> memref<64x64xf32, #tpu.memory_space<hbm>>
      tpu.enqueue_dma source(%dma_start3A_66 : memref<64x64xf32, #tpu.memory_space<hbm>>) target(%arg5 : memref<64x64xf32, #tpu.memory_space<vmem>>) target_semaphore(%run_scoped3A : memref<!tpu.dma_semaphore, #tpu.memory_space<semaphore_mem>>)
      %dma_wait3A = arith.constant 0 : i32
      %dma_wait3A_67 = arith.constant 0 : i32
      %dma_wait3A_68 = tpu.memref_slice %arg2[%add3A, %dma_wait3A, %dma_wait3A_67] : memref<32x64x64xf32, #tpu.memory_space<hbm>> -> memref<1x64x64xf32, #tpu.memory_space<hbm>>
      %dma_wait3A_69 = tpu.memref_squeeze %dma_wait3A_68 : memref<1x64x64xf32, #tpu.memory_space<hbm>> -> memref<64x64xf32, #tpu.memory_space<hbm>>
      %dma_wait3A_70 = arith.constant 0 : i32
      %dma_wait3A_71 = arith.constant 0 : i32
      %dma_wait3A_72 = tpu.memref_slice %arg2[%add3A, %dma_wait3A_70, %dma_wait3A_71] : memref<32x64x64xf32, #tpu.memory_space<hbm>> -> memref<1x64x64xf32, #tpu.memory_space<hbm>>
      %dma_wait3A_73 = tpu.memref_squeeze %dma_wait3A_72 : memref<1x64x64xf32, #tpu.memory_space<hbm>> -> memref<64x64xf32, #tpu.memory_space<hbm>>
      tpu.wait_dma2 semaphore(%run_scoped3A : memref<!tpu.dma_semaphore, #tpu.memory_space<semaphore_mem>>) src(%dma_wait3A_73 : memref<64x64xf32, #tpu.memory_space<hbm>>) dst(%arg5 : memref<64x64xf32, #tpu.memory_space<vmem>>)
      tpu.yield
    }) : () -> ()
    %broadcast_in_dim3A = arith.constant -2147483648 : i32
    %broadcast_in_dim3A_3 = vector.broadcast %broadcast_in_dim3A : i32 to vector<16xi32>
    %broadcast_in_dim3A_4 = arith.constant 0 : i32
    %broadcast_in_dim3A_5 = vector.broadcast %broadcast_in_dim3A_4 : i32 to vector<16xi32>
    %scan3A = arith.constant 0 : i32
    %scan3A_6 = arith.constant 64 : i32
    %scan3A_7 = arith.addi %scan3A, %scan3A_6 : i32
    %scan3A_8 = arith.constant 1 : i32
    %scan3A_9:4 = scf.for %scan3A_60 = %scan3A to %scan3A_7 step %scan3A_8 iter_args(%scan3A_61 = %broadcast_in_dim3A_3, %scan3A_62 = %broadcast_in_dim3A_5, %scan3A_63 = %broadcast_in_dim3A_3, %scan3A_64 = %broadcast_in_dim3A_5) -> (vector<16xi32>, vector<16xi32>, vector<16xi32>, vector<16xi32>)  : i32 {
      %get3A = arith.index_cast %scan3A_60 : i32 to index
      %get3A_65 = arith.constant 0 : index
      %get3A_66 = tpu.vector_load %arg5[%get3A, %get3A_65] {strides = array<i32>} : memref<64x64xf32, #tpu.memory_space<vmem>>, vector<1x16xf32>,
      %get3A_67 = vector.shape_cast %get3A_66 : vector<1x16xf32> to vector<16xf32>
      %bitcast_convert_type3A = tpu.bitcast %get3A_67 : vector<16xf32> -> vector<16xi32>
      %lt3A = arith.constant 0 : i32
      %lt3A_68 = vector.broadcast %lt3A : i32 to vector<16xi32>
      %lt3A_69 = arith.cmpi slt, %bitcast_convert_type3A, %lt3A_68 : vector<16xi32>
      %xor3A = arith.constant 2147483647 : i32
      %xor3A_70 = vector.broadcast %xor3A : i32 to vector<16xi32>
      %xor3A_71 = arith.xori %bitcast_convert_type3A, %xor3A_70 : vector<16xi32>
      %select_n3A = arith.select %lt3A_69, %xor3A_71, %bitcast_convert_type3A : vector<16xi1>, vector<16xi32>
      %broadcast_in_dim3A_72 = vector.broadcast %scan3A_60 : i32 to vector<16xi32>
      %gt3A = arith.cmpi sgt, %select_n3A, %scan3A_61 : vector<16xi32>
      %gt3A_73 = arith.cmpi sgt, %select_n3A, %scan3A_63 : vector<16xi32>
      %select_n3A_74 = arith.select %gt3A_73, %select_n3A, %scan3A_63 : vector<16xi1>, vector<16xi32>
      %select_n3A_75 = arith.select %gt3A, %scan3A_61, %select_n3A_74 : vector<16xi1>, vector<16xi32>
      %select_n3A_76 = arith.select %gt3A_73, %broadcast_in_dim3A_72, %scan3A_64 : vector<16xi1>, vector<16xi32>
      %select_n3A_77 = arith.select %gt3A, %scan3A_62, %select_n3A_76 : vector<16xi1>, vector<16xi32>
      %select_n3A_78 = arith.select %gt3A, %select_n3A, %scan3A_61 : vector<16xi1>, vector<16xi32>
      %select_n3A_79 = arith.select %gt3A, %broadcast_in_dim3A_72, %scan3A_62 : vector<16xi1>, vector<16xi32>
      scf.yield %select_n3A_78, %select_n3A_79, %select_n3A_75, %select_n3A_77 : vector<16xi32>, vector<16xi32>, vector<16xi32>, vector<16xi32>
    }
    %scan3A_10 = arith.constant 64 : i32
    %swap3A = arith.constant 0 : index
    %swap3A_11 = tpu.vector_load %arg6[%swap3A] {strides = array<i32>} : memref<64xi32, #tpu.memory_space<vmem>>, vector<16xi32>,
    %swap3A_12 = vector.shape_cast %swap3A_11 : vector<16xi32> to vector<16xi32>
    %swap3A_13 = vector.shape_cast %scan3A_9#1 : vector<16xi32> to vector<16xi32>
    tpu.vector_store %arg6[%swap3A], %swap3A_13 {strides = array<i32>} : memref<64xi32, #tpu.memory_space<vmem>>, vector<16xi32>,
    %swap3A_14 = arith.constant 0 : index
    %swap3A_15 = tpu.vector_load %arg7[%swap3A_14] {strides = array<i32>} : memref<64xi32, #tpu.memory_space<vmem>>, vector<16xi32>,
    %swap3A_16 = vector.shape_cast %swap3A_15 : vector<16xi32> to vector<16xi32>
    %swap3A_17 = vector.shape_cast %scan3A_9#3 : vector<16xi32> to vector<16xi32>
    tpu.vector_store %arg7[%swap3A_14], %swap3A_17 {strides = array<i32>} : memref<64xi32, #tpu.memory_space<vmem>>, vector<16xi32>,
    %scan3A_18 = arith.constant 0 : i32
    %scan3A_19 = arith.constant 64 : i32
    %scan3A_20 = arith.addi %scan3A_18, %scan3A_19 : i32
    %scan3A_21 = arith.constant 1 : i32
    %scan3A_22:4 = scf.for %scan3A_60 = %scan3A_18 to %scan3A_20 step %scan3A_21 iter_args(%scan3A_61 = %broadcast_in_dim3A_3, %scan3A_62 = %broadcast_in_dim3A_5, %scan3A_63 = %broadcast_in_dim3A_3, %scan3A_64 = %broadcast_in_dim3A_5) -> (vector<16xi32>, vector<16xi32>, vector<16xi32>, vector<16xi32>)  : i32 {
      %get3A = arith.index_cast %scan3A_60 : i32 to index
      %get3A_65 = arith.constant 16 : index
      %get3A_66 = tpu.vector_load %arg5[%get3A, %get3A_65] {strides = array<i32>} : memref<64x64xf32, #tpu.memory_space<vmem>>, vector<1x16xf32>,
      %get3A_67 = vector.shape_cast %get3A_66 : vector<1x16xf32> to vector<16xf32>
      %bitcast_convert_type3A = tpu.bitcast %get3A_67 : vector<16xf32> -> vector<16xi32>
      %lt3A = arith.constant 0 : i32
      %lt3A_68 = vector.broadcast %lt3A : i32 to vector<16xi32>
      %lt3A_69 = arith.cmpi slt, %bitcast_convert_type3A, %lt3A_68 : vector<16xi32>
      %xor3A = arith.constant 2147483647 : i32
      %xor3A_70 = vector.broadcast %xor3A : i32 to vector<16xi32>
      %xor3A_71 = arith.xori %bitcast_convert_type3A, %xor3A_70 : vector<16xi32>
      %select_n3A = arith.select %lt3A_69, %xor3A_71, %bitcast_convert_type3A : vector<16xi1>, vector<16xi32>
      %broadcast_in_dim3A_72 = vector.broadcast %scan3A_60 : i32 to vector<16xi32>
      %gt3A = arith.cmpi sgt, %select_n3A, %scan3A_61 : vector<16xi32>
      %gt3A_73 = arith.cmpi sgt, %select_n3A, %scan3A_63 : vector<16xi32>
      %select_n3A_74 = arith.select %gt3A_73, %select_n3A, %scan3A_63 : vector<16xi1>, vector<16xi32>
      %select_n3A_75 = arith.select %gt3A, %scan3A_61, %select_n3A_74 : vector<16xi1>, vector<16xi32>
      %select_n3A_76 = arith.select %gt3A_73, %broadcast_in_dim3A_72, %scan3A_64 : vector<16xi1>, vector<16xi32>
      %select_n3A_77 = arith.select %gt3A, %scan3A_62, %select_n3A_76 : vector<16xi1>, vector<16xi32>
      %select_n3A_78 = arith.select %gt3A, %select_n3A, %scan3A_61 : vector<16xi1>, vector<16xi32>
      %select_n3A_79 = arith.select %gt3A, %broadcast_in_dim3A_72, %scan3A_62 : vector<16xi1>, vector<16xi32>
      scf.yield %select_n3A_78, %select_n3A_79, %select_n3A_75, %select_n3A_77 : vector<16xi32>, vector<16xi32>, vector<16xi32>, vector<16xi32>
    }
    %scan3A_23 = arith.constant 64 : i32
    %swap3A_24 = arith.constant 16 : index
    %swap3A_25 = tpu.vector_load %arg6[%swap3A_24] {strides = array<i32>} : memref<64xi32, #tpu.memory_space<vmem>>, vector<16xi32>,
    %swap3A_26 = vector.shape_cast %swap3A_25 : vector<16xi32> to vector<16xi32>
    %swap3A_27 = vector.shape_cast %scan3A_22#1 : vector<16xi32> to vector<16xi32>
    tpu.vector_store %arg6[%swap3A_24], %swap3A_27 {strides = array<i32>} : memref<64xi32, #tpu.memory_space<vmem>>, vector<16xi32>,
    %swap3A_28 = arith.constant 16 : index
    %swap3A_29 = tpu.vector_load %arg7[%swap3A_28] {strides = array<i32>} : memref<64xi32, #tpu.memory_space<vmem>>, vector<16xi32>,
    %swap3A_30 = vector.shape_cast %swap3A_29 : vector<16xi32> to vector<16xi32>
    %swap3A_31 = vector.shape_cast %scan3A_22#3 : vector<16xi32> to vector<16xi32>
    tpu.vector_store %arg7[%swap3A_28], %swap3A_31 {strides = array<i32>} : memref<64xi32, #tpu.memory_space<vmem>>, vector<16xi32>,
    %scan3A_32 = arith.constant 0 : i32
    %scan3A_33 = arith.constant 64 : i32
    %scan3A_34 = arith.addi %scan3A_32, %scan3A_33 : i32
    %scan3A_35 = arith.constant 1 : i32
    %scan3A_36:4 = scf.for %scan3A_60 = %scan3A_32 to %scan3A_34 step %scan3A_35 iter_args(%scan3A_61 = %broadcast_in_dim3A_3, %scan3A_62 = %broadcast_in_dim3A_5, %scan3A_63 = %broadcast_in_dim3A_3, %scan3A_64 = %broadcast_in_dim3A_5) -> (vector<16xi32>, vector<16xi32>, vector<16xi32>, vector<16xi32>)  : i32 {
      %get3A = arith.index_cast %scan3A_60 : i32 to index
      %get3A_65 = arith.constant 32 : index
      %get3A_66 = tpu.vector_load %arg5[%get3A, %get3A_65] {strides = array<i32>} : memref<64x64xf32, #tpu.memory_space<vmem>>, vector<1x16xf32>,
      %get3A_67 = vector.shape_cast %get3A_66 : vector<1x16xf32> to vector<16xf32>
      %bitcast_convert_type3A = tpu.bitcast %get3A_67 : vector<16xf32> -> vector<16xi32>
      %lt3A = arith.constant 0 : i32
      %lt3A_68 = vector.broadcast %lt3A : i32 to vector<16xi32>
      %lt3A_69 = arith.cmpi slt, %bitcast_convert_type3A, %lt3A_68 : vector<16xi32>
      %xor3A = arith.constant 2147483647 : i32
      %xor3A_70 = vector.broadcast %xor3A : i32 to vector<16xi32>
      %xor3A_71 = arith.xori %bitcast_convert_type3A, %xor3A_70 : vector<16xi32>
      %select_n3A = arith.select %lt3A_69, %xor3A_71, %bitcast_convert_type3A : vector<16xi1>, vector<16xi32>
      %broadcast_in_dim3A_72 = vector.broadcast %scan3A_60 : i32 to vector<16xi32>
      %gt3A = arith.cmpi sgt, %select_n3A, %scan3A_61 : vector<16xi32>
      %gt3A_73 = arith.cmpi sgt, %select_n3A, %scan3A_63 : vector<16xi32>
      %select_n3A_74 = arith.select %gt3A_73, %select_n3A, %scan3A_63 : vector<16xi1>, vector<16xi32>
      %select_n3A_75 = arith.select %gt3A, %scan3A_61, %select_n3A_74 : vector<16xi1>, vector<16xi32>
      %select_n3A_76 = arith.select %gt3A_73, %broadcast_in_dim3A_72, %scan3A_64 : vector<16xi1>, vector<16xi32>
      %select_n3A_77 = arith.select %gt3A, %scan3A_62, %select_n3A_76 : vector<16xi1>, vector<16xi32>
      %select_n3A_78 = arith.select %gt3A, %select_n3A, %scan3A_61 : vector<16xi1>, vector<16xi32>
      %select_n3A_79 = arith.select %gt3A, %broadcast_in_dim3A_72, %scan3A_62 : vector<16xi1>, vector<16xi32>
      scf.yield %select_n3A_78, %select_n3A_79, %select_n3A_75, %select_n3A_77 : vector<16xi32>, vector<16xi32>, vector<16xi32>, vector<16xi32>
    }
    %scan3A_37 = arith.constant 64 : i32
    %swap3A_38 = arith.constant 32 : index
    %swap3A_39 = tpu.vector_load %arg6[%swap3A_38] {strides = array<i32>} : memref<64xi32, #tpu.memory_space<vmem>>, vector<16xi32>,
    %swap3A_40 = vector.shape_cast %swap3A_39 : vector<16xi32> to vector<16xi32>
    %swap3A_41 = vector.shape_cast %scan3A_36#1 : vector<16xi32> to vector<16xi32>
    tpu.vector_store %arg6[%swap3A_38], %swap3A_41 {strides = array<i32>} : memref<64xi32, #tpu.memory_space<vmem>>, vector<16xi32>,
    %swap3A_42 = arith.constant 32 : index
    %swap3A_43 = tpu.vector_load %arg7[%swap3A_42] {strides = array<i32>} : memref<64xi32, #tpu.memory_space<vmem>>, vector<16xi32>,
    %swap3A_44 = vector.shape_cast %swap3A_43 : vector<16xi32> to vector<16xi32>
    %swap3A_45 = vector.shape_cast %scan3A_36#3 : vector<16xi32> to vector<16xi32>
    tpu.vector_store %arg7[%swap3A_42], %swap3A_45 {strides = array<i32>} : memref<64xi32, #tpu.memory_space<vmem>>, vector<16xi32>,
    %scan3A_46 = arith.constant 0 : i32
    %scan3A_47 = arith.constant 64 : i32
    %scan3A_48 = arith.addi %scan3A_46, %scan3A_47 : i32
    %scan3A_49 = arith.constant 1 : i32
    %scan3A_50:4 = scf.for %scan3A_60 = %scan3A_46 to %scan3A_48 step %scan3A_49 iter_args(%scan3A_61 = %broadcast_in_dim3A_3, %scan3A_62 = %broadcast_in_dim3A_5, %scan3A_63 = %broadcast_in_dim3A_3, %scan3A_64 = %broadcast_in_dim3A_5) -> (vector<16xi32>, vector<16xi32>, vector<16xi32>, vector<16xi32>)  : i32 {
      %get3A = arith.index_cast %scan3A_60 : i32 to index
      %get3A_65 = arith.constant 48 : index
      %get3A_66 = tpu.vector_load %arg5[%get3A, %get3A_65] {strides = array<i32>} : memref<64x64xf32, #tpu.memory_space<vmem>>, vector<1x16xf32>,
      %get3A_67 = vector.shape_cast %get3A_66 : vector<1x16xf32> to vector<16xf32>
      %bitcast_convert_type3A = tpu.bitcast %get3A_67 : vector<16xf32> -> vector<16xi32>
      %lt3A = arith.constant 0 : i32
      %lt3A_68 = vector.broadcast %lt3A : i32 to vector<16xi32>
      %lt3A_69 = arith.cmpi slt, %bitcast_convert_type3A, %lt3A_68 : vector<16xi32>
      %xor3A = arith.constant 2147483647 : i32
      %xor3A_70 = vector.broadcast %xor3A : i32 to vector<16xi32>
      %xor3A_71 = arith.xori %bitcast_convert_type3A, %xor3A_70 : vector<16xi32>
      %select_n3A = arith.select %lt3A_69, %xor3A_71, %bitcast_convert_type3A : vector<16xi1>, vector<16xi32>
      %broadcast_in_dim3A_72 = vector.broadcast %scan3A_60 : i32 to vector<16xi32>
      %gt3A = arith.cmpi sgt, %select_n3A, %scan3A_61 : vector<16xi32>
      %gt3A_73 = arith.cmpi sgt, %select_n3A, %scan3A_63 : vector<16xi32>
      %select_n3A_74 = arith.select %gt3A_73, %select_n3A, %scan3A_63 : vector<16xi1>, vector<16xi32>
      %select_n3A_75 = arith.select %gt3A, %scan3A_61, %select_n3A_74 : vector<16xi1>, vector<16xi32>
      %select_n3A_76 = arith.select %gt3A_73, %broadcast_in_dim3A_72, %scan3A_64 : vector<16xi1>, vector<16xi32>
      %select_n3A_77 = arith.select %gt3A, %scan3A_62, %select_n3A_76 : vector<16xi1>, vector<16xi32>
      %select_n3A_78 = arith.select %gt3A, %select_n3A, %scan3A_61 : vector<16xi1>, vector<16xi32>
      %select_n3A_79 = arith.select %gt3A, %broadcast_in_dim3A_72, %scan3A_62 : vector<16xi1>, vector<16xi32>
      scf.yield %select_n3A_78, %select_n3A_79, %select_n3A_75, %select_n3A_77 : vector<16xi32>, vector<16xi32>, vector<16xi32>, vector<16xi32>
    }
    %scan3A_51 = arith.constant 64 : i32
    %swap3A_52 = arith.constant 48 : index
    %swap3A_53 = tpu.vector_load %arg6[%swap3A_52] {strides = array<i32>} : memref<64xi32, #tpu.memory_space<vmem>>, vector<16xi32>,
    %swap3A_54 = vector.shape_cast %swap3A_53 : vector<16xi32> to vector<16xi32>
    %swap3A_55 = vector.shape_cast %scan3A_50#1 : vector<16xi32> to vector<16xi32>
    tpu.vector_store %arg6[%swap3A_52], %swap3A_55 {strides = array<i32>} : memref<64xi32, #tpu.memory_space<vmem>>, vector<16xi32>,
    %swap3A_56 = arith.constant 48 : index
    %swap3A_57 = tpu.vector_load %arg7[%swap3A_56] {strides = array<i32>} : memref<64xi32, #tpu.memory_space<vmem>>, vector<16xi32>,
    %swap3A_58 = vector.shape_cast %swap3A_57 : vector<16xi32> to vector<16xi32>
    %swap3A_59 = vector.shape_cast %scan3A_50#3 : vector<16xi32> to vector<16xi32>
    tpu.vector_store %arg7[%swap3A_56], %swap3A_59 {strides = array<i32>} : memref<64xi32, #tpu.memory_space<vmem>>, vector<16xi32>,
    "tpu.region"() ({
      %run_scoped3A = tpu.sem_alloc : memref<!tpu.dma_semaphore, #tpu.memory_space<semaphore_mem>>
      %dma_start3A = tpu.memref_slice %arg3[%mul3A_2] : memref<2048xi32, #tpu.memory_space<hbm>> -> memref<64xi32, #tpu.memory_space<hbm>>
      %dma_start3A_60 = tpu.memref_slice %arg3[%mul3A_2] : memref<2048xi32, #tpu.memory_space<hbm>> -> memref<64xi32, #tpu.memory_space<hbm>>
      tpu.enqueue_dma source(%arg6 : memref<64xi32, #tpu.memory_space<vmem>>) target(%dma_start3A_60 : memref<64xi32, #tpu.memory_space<hbm>>) target_semaphore(%run_scoped3A : memref<!tpu.dma_semaphore, #tpu.memory_space<semaphore_mem>>)
      %dma_wait3A = tpu.memref_slice %arg3[%mul3A_2] : memref<2048xi32, #tpu.memory_space<hbm>> -> memref<64xi32, #tpu.memory_space<hbm>>
      %dma_wait3A_61 = tpu.memref_slice %arg3[%mul3A_2] : memref<2048xi32, #tpu.memory_space<hbm>> -> memref<64xi32, #tpu.memory_space<hbm>>
      tpu.wait_dma2 semaphore(%run_scoped3A : memref<!tpu.dma_semaphore, #tpu.memory_space<semaphore_mem>>) src(%arg6 : memref<64xi32, #tpu.memory_space<vmem>>) dst(%dma_wait3A_61 : memref<64xi32, #tpu.memory_space<hbm>>)
      tpu.yield
    }) : () -> ()
    "tpu.region"() ({
      %run_scoped3A = tpu.sem_alloc : memref<!tpu.dma_semaphore, #tpu.memory_space<semaphore_mem>>
      %dma_start3A = tpu.memref_slice %arg4[%mul3A_2] : memref<2048xi32, #tpu.memory_space<hbm>> -> memref<64xi32, #tpu.memory_space<hbm>>
      %dma_start3A_60 = tpu.memref_slice %arg4[%mul3A_2] : memref<2048xi32, #tpu.memory_space<hbm>> -> memref<64xi32, #tpu.memory_space<hbm>>
      tpu.enqueue_dma source(%arg7 : memref<64xi32, #tpu.memory_space<vmem>>) target(%dma_start3A_60 : memref<64xi32, #tpu.memory_space<hbm>>) target_semaphore(%run_scoped3A : memref<!tpu.dma_semaphore, #tpu.memory_space<semaphore_mem>>)
      %dma_wait3A = tpu.memref_slice %arg4[%mul3A_2] : memref<2048xi32, #tpu.memory_space<hbm>> -> memref<64xi32, #tpu.memory_space<hbm>>
      %dma_wait3A_61 = tpu.memref_slice %arg4[%mul3A_2] : memref<2048xi32, #tpu.memory_space<hbm>> -> memref<64xi32, #tpu.memory_space<hbm>>
      tpu.wait_dma2 semaphore(%run_scoped3A : memref<!tpu.dma_semaphore, #tpu.memory_space<semaphore_mem>>) src(%arg7 : memref<64xi32, #tpu.memory_space<vmem>>) dst(%dma_wait3A_61 : memref<64xi32, #tpu.memory_space<hbm>>)
      tpu.yield
    }) : () -> ()
    return
  }
}

module attributes {stable_mosaic.version = 14 : i64} {
  func.func @_expert_step(%arg0: i32, %arg1: memref<2048x1xi32, #tpu.memory_space<vmem>>, %arg2: memref<2048x1xi32, #tpu.memory_space<vmem>>, %arg3: memref<2048x90xf32, #tpu.memory_space<vmem>>, %arg4: memref<1x63x128xf32, #tpu.memory_space<vmem>>, %arg5: memref<1x1x128xf32, #tpu.memory_space<vmem>>, %arg6: memref<1x128x128xf32, #tpu.memory_space<vmem>>, %arg7: memref<1x1x128xf32, #tpu.memory_space<vmem>>, %arg8: memref<1x128x128xf32, #tpu.memory_space<vmem>>, %arg9: memref<1x1x128xf32, #tpu.memory_space<vmem>>, %arg10: memref<1x128x128xf32, #tpu.memory_space<vmem>>, %arg11: memref<1x1x128xf32, #tpu.memory_space<vmem>>, %arg12: memref<1x128x128xf32, #tpu.memory_space<vmem>>, %arg13: memref<1x1x128xf32, #tpu.memory_space<vmem>>, %arg14: memref<1x155x64xf32, #tpu.memory_space<vmem>>, %arg15: memref<1x1x64xf32, #tpu.memory_space<vmem>>, %arg16: memref<1x128x1xf32, #tpu.memory_space<vmem>>, %arg17: memref<1x1x1xf32, #tpu.memory_space<vmem>>, %arg18: memref<1x64x3xf32, #tpu.memory_space<vmem>>, %arg19: memref<1x1x3xf32, #tpu.memory_space<vmem>>, %arg20: memref<2x2048x4xf32, #tpu.memory_space<vmem>>) attributes {dimension_semantics = [#tpu.dimension_semantics<arbitrary>], iteration_bounds = array<i64: 64>, scalar_prefetch = 0 : i64, scratch_operands = 0 : i64, tpu.core_type = #tpu.core_type<tc>, window_params = [{pipeline_mode = #tpu.pipeline_mode<synchronous>, transform_indices = @transform_0, window_bounds = array<i64: 2048, 1>}, {pipeline_mode = #tpu.pipeline_mode<synchronous>, transform_indices = @transform_1, window_bounds = array<i64: 2048, 1>}, {pipeline_mode = #tpu.pipeline_mode<synchronous>, transform_indices = @transform_2, window_bounds = array<i64: 2048, 90>}, {transform_indices = @transform_3, window_bounds = array<i64: 1, 63, 128>}, {transform_indices = @transform_4, window_bounds = array<i64: 1, 1, 128>}, {transform_indices = @transform_5, window_bounds = array<i64: 1, 128, 128>}, {transform_indices = @transform_6, window_bounds = array<i64: 1, 1, 128>}, {transform_indices = @transform_7, window_bounds = array<i64: 1, 128, 128>}, {transform_indices = @transform_8, window_bounds = array<i64: 1, 1, 128>}, {transform_indices = @transform_9, window_bounds = array<i64: 1, 128, 128>}, {transform_indices = @transform_10, window_bounds = array<i64: 1, 1, 128>}, {transform_indices = @transform_11, window_bounds = array<i64: 1, 128, 128>}, {transform_indices = @transform_12, window_bounds = array<i64: 1, 1, 128>}, {transform_indices = @transform_13, window_bounds = array<i64: 1, 155, 64>}, {transform_indices = @transform_14, window_bounds = array<i64: 1, 1, 64>}, {transform_indices = @transform_15, window_bounds = array<i64: 1, 128, 1>}, {transform_indices = @transform_16, window_bounds = array<i64: 1, 1, 1>}, {transform_indices = @transform_17, window_bounds = array<i64: 1, 64, 3>}, {transform_indices = @transform_18, window_bounds = array<i64: 1, 1, 3>}, {pipeline_mode = #tpu.pipeline_mode<synchronous>, transform_indices = @transform_19, window_bounds = array<i64: 2, 2048, 4>}]} {
    %get3A = arith.constant 0 : index
    %get3A_0 = arith.constant 0 : index
    %get3A_1 = vector.load %arg3[%get3A, %get3A_0] : memref<2048x90xf32, #tpu.memory_space<vmem>>, vector<2048x63xf32>
    %get3A_2 = arith.constant 0 : index
    %get3A_3 = arith.constant 63 : index
    %get3A_4 = vector.load %arg3[%get3A_2, %get3A_3] : memref<2048x90xf32, #tpu.memory_space<vmem>>, vector<2048x27xf32>
    %get3A_5 = arith.constant 0 : index
    %get3A_6 = arith.constant 0 : index
    %get3A_7 = arith.constant 0 : index
    %get3A_8 = vector.load %arg4[%get3A_5, %get3A_6, %get3A_7] : memref<1x63x128xf32, #tpu.memory_space<vmem>>, vector<1x63x128xf32>
    %get3A_9 = vector.shape_cast %get3A_8 : vector<1x63x128xf32> to vector<63x128xf32>
    %dot_general3A = arith.constant dense<0.000000e+00> : vector<2048x128xf32>
    %dot_general3A_10 = tpu.matmul %get3A_1, %get3A_9, %dot_general3A {dimension_numbers = #tpu.dot_dimension_numbers<[1], [0], [0], [1], [0, 0, 1, 1], [], []>, transpose_lhs_hint = false} : vector<2048x63xf32>, vector<63x128xf32>, vector<2048x128xf32> -> vector<2048x128xf32>
    %get3A_11 = arith.constant 0 : index
    %get3A_12 = arith.constant 0 : index
    %get3A_13 = arith.constant 0 : index
    %get3A_14 = vector.load %arg5[%get3A_11, %get3A_12, %get3A_13] : memref<1x1x128xf32, #tpu.memory_space<vmem>>, vector<1x1x128xf32>
    %get3A_15 = vector.shape_cast %get3A_14 : vector<1x1x128xf32> to vector<1x128xf32>
    %add3A = vector.broadcast %get3A_15 : vector<1x128xf32> to vector<2048x128xf32>
    %add3A_16 = arith.addf %dot_general3A_10, %add3A : vector<2048x128xf32>
    %max3A = arith.constant 0.000000e+00 : f32
    %max3A_17 = vector.broadcast %max3A : f32 to vector<2048x128xf32>
    %max3A_18 = arith.maximumf %add3A_16, %max3A_17 : vector<2048x128xf32>
    %get3A_19 = arith.constant 0 : index
    %get3A_20 = arith.constant 0 : index
    %get3A_21 = arith.constant 0 : index
    %get3A_22 = vector.load %arg6[%get3A_19, %get3A_20, %get3A_21] : memref<1x128x128xf32, #tpu.memory_space<vmem>>, vector<1x128x128xf32>
    %get3A_23 = vector.shape_cast %get3A_22 : vector<1x128x128xf32> to vector<128x128xf32>
    %dot_general3A_24 = arith.constant dense<0.000000e+00> : vector<2048x128xf32>
    %dot_general3A_25 = tpu.matmul %max3A_18, %get3A_23, %dot_general3A_24 {dimension_numbers = #tpu.dot_dimension_numbers<[1], [0], [0], [1], [0, 0, 1, 1], [], []>, transpose_lhs_hint = false} : vector<2048x128xf32>, vector<128x128xf32>, vector<2048x128xf32> -> vector<2048x128xf32>
    %get3A_26 = arith.constant 0 : index
    %get3A_27 = arith.constant 0 : index
    %get3A_28 = arith.constant 0 : index
    %get3A_29 = vector.load %arg7[%get3A_26, %get3A_27, %get3A_28] : memref<1x1x128xf32, #tpu.memory_space<vmem>>, vector<1x1x128xf32>
    %get3A_30 = vector.shape_cast %get3A_29 : vector<1x1x128xf32> to vector<1x128xf32>
    %add3A_31 = vector.broadcast %get3A_30 : vector<1x128xf32> to vector<2048x128xf32>
    %add3A_32 = arith.addf %dot_general3A_25, %add3A_31 : vector<2048x128xf32>
    %max3A_33 = arith.constant 0.000000e+00 : f32
    %max3A_34 = vector.broadcast %max3A_33 : f32 to vector<2048x128xf32>
    %max3A_35 = arith.maximumf %add3A_32, %max3A_34 : vector<2048x128xf32>
    %get3A_36 = arith.constant 0 : index
    %get3A_37 = arith.constant 0 : index
    %get3A_38 = arith.constant 0 : index
    %get3A_39 = vector.load %arg8[%get3A_36, %get3A_37, %get3A_38] : memref<1x128x128xf32, #tpu.memory_space<vmem>>, vector<1x128x128xf32>
    %get3A_40 = vector.shape_cast %get3A_39 : vector<1x128x128xf32> to vector<128x128xf32>
    %dot_general3A_41 = arith.constant dense<0.000000e+00> : vector<2048x128xf32>
    %dot_general3A_42 = tpu.matmul %max3A_35, %get3A_40, %dot_general3A_41 {dimension_numbers = #tpu.dot_dimension_numbers<[1], [0], [0], [1], [0, 0, 1, 1], [], []>, transpose_lhs_hint = false} : vector<2048x128xf32>, vector<128x128xf32>, vector<2048x128xf32> -> vector<2048x128xf32>
    %get3A_43 = arith.constant 0 : index
    %get3A_44 = arith.constant 0 : index
    %get3A_45 = arith.constant 0 : index
    %get3A_46 = vector.load %arg9[%get3A_43, %get3A_44, %get3A_45] : memref<1x1x128xf32, #tpu.memory_space<vmem>>, vector<1x1x128xf32>
    %get3A_47 = vector.shape_cast %get3A_46 : vector<1x1x128xf32> to vector<1x128xf32>
    %add3A_48 = vector.broadcast %get3A_47 : vector<1x128xf32> to vector<2048x128xf32>
    %add3A_49 = arith.addf %dot_general3A_42, %add3A_48 : vector<2048x128xf32>
    %max3A_50 = arith.constant 0.000000e+00 : f32
    %max3A_51 = vector.broadcast %max3A_50 : f32 to vector<2048x128xf32>
    %max3A_52 = arith.maximumf %add3A_49, %max3A_51 : vector<2048x128xf32>
    %get3A_53 = arith.constant 0 : index
    %get3A_54 = arith.constant 0 : index
    %get3A_55 = arith.constant 0 : index
    %get3A_56 = vector.load %arg10[%get3A_53, %get3A_54, %get3A_55] : memref<1x128x128xf32, #tpu.memory_space<vmem>>, vector<1x128x128xf32>
    %get3A_57 = vector.shape_cast %get3A_56 : vector<1x128x128xf32> to vector<128x128xf32>
    %dot_general3A_58 = arith.constant dense<0.000000e+00> : vector<2048x128xf32>
    %dot_general3A_59 = tpu.matmul %max3A_52, %get3A_57, %dot_general3A_58 {dimension_numbers = #tpu.dot_dimension_numbers<[1], [0], [0], [1], [0, 0, 1, 1], [], []>, transpose_lhs_hint = false} : vector<2048x128xf32>, vector<128x128xf32>, vector<2048x128xf32> -> vector<2048x128xf32>
    %get3A_60 = arith.constant 0 : index
    %get3A_61 = arith.constant 0 : index
    %get3A_62 = arith.constant 0 : index
    %get3A_63 = vector.load %arg11[%get3A_60, %get3A_61, %get3A_62] : memref<1x1x128xf32, #tpu.memory_space<vmem>>, vector<1x1x128xf32>
    %get3A_64 = vector.shape_cast %get3A_63 : vector<1x1x128xf32> to vector<1x128xf32>
    %add3A_65 = vector.broadcast %get3A_64 : vector<1x128xf32> to vector<2048x128xf32>
    %add3A_66 = arith.addf %dot_general3A_59, %add3A_65 : vector<2048x128xf32>
    %max3A_67 = arith.constant 0.000000e+00 : f32
    %max3A_68 = vector.broadcast %max3A_67 : f32 to vector<2048x128xf32>
    %max3A_69 = arith.maximumf %add3A_66, %max3A_68 : vector<2048x128xf32>
    %get3A_70 = arith.constant 0 : index
    %get3A_71 = arith.constant 0 : index
    %get3A_72 = arith.constant 0 : index
    %get3A_73 = vector.load %arg14[%get3A_70, %get3A_71, %get3A_72] : memref<1x155x64xf32, #tpu.memory_space<vmem>>, vector<1x155x64xf32>
    %get3A_74 = vector.shape_cast %get3A_73 : vector<1x155x64xf32> to vector<155x64xf32>
    %slice3A = vector.extract_strided_slice %get3A_74 {offsets = [0, 0], sizes = [128, 64], strides = [1, 1]} : vector<155x64xf32> to vector<128x64xf32>
    %get3A_75 = arith.constant 0 : index
    %get3A_76 = arith.constant 0 : index
    %get3A_77 = arith.constant 0 : index
    %get3A_78 = vector.load %arg12[%get3A_75, %get3A_76, %get3A_77] : memref<1x128x128xf32, #tpu.memory_space<vmem>>, vector<1x128x128xf32>
    %get3A_79 = vector.shape_cast %get3A_78 : vector<1x128x128xf32> to vector<128x128xf32>
    %dot_general3A_80 = arith.constant dense<0.000000e+00> : vector<128x64xf32>
    %dot_general3A_81 = tpu.matmul %get3A_79, %slice3A, %dot_general3A_80 {dimension_numbers = #tpu.dot_dimension_numbers<[1], [0], [0], [1], [0, 0, 1, 1], [], []>, transpose_lhs_hint = false} : vector<128x128xf32>, vector<128x64xf32>, vector<128x64xf32> -> vector<128x64xf32>
    %get3A_82 = arith.constant 0 : index
    %get3A_83 = arith.constant 0 : index
    %get3A_84 = arith.constant 0 : index
    %get3A_85 = vector.load %arg13[%get3A_82, %get3A_83, %get3A_84] : memref<1x1x128xf32, #tpu.memory_space<vmem>>, vector<1x1x128xf32>
    %get3A_86 = vector.shape_cast %get3A_85 : vector<1x1x128xf32> to vector<1x128xf32>
    %dot_general3A_87 = arith.constant dense<0.000000e+00> : vector<1x64xf32>
    %dot_general3A_88 = tpu.matmul %get3A_86, %slice3A, %dot_general3A_87 {dimension_numbers = #tpu.dot_dimension_numbers<[1], [0], [0], [1], [0, 0, 1, 1], [], []>, transpose_lhs_hint = false} : vector<1x128xf32>, vector<128x64xf32>, vector<1x64xf32> -> vector<1x64xf32>
    %get3A_89 = arith.constant 0 : index
    %get3A_90 = arith.constant 0 : index
    %get3A_91 = arith.constant 0 : index
    %get3A_92 = vector.load %arg15[%get3A_89, %get3A_90, %get3A_91] : memref<1x1x64xf32, #tpu.memory_space<vmem>>, vector<1x1x64xf32>
    %get3A_93 = vector.shape_cast %get3A_92 : vector<1x1x64xf32> to vector<1x64xf32>
    %add3A_94 = arith.addf %dot_general3A_88, %get3A_93 : vector<1x64xf32>
    %get3A_95 = arith.constant 0 : index
    %get3A_96 = arith.constant 0 : index
    %get3A_97 = arith.constant 0 : index
    %get3A_98 = vector.load %arg16[%get3A_95, %get3A_96, %get3A_97] : memref<1x128x1xf32, #tpu.memory_space<vmem>>, vector<1x128x1xf32>
    %get3A_99 = vector.shape_cast %get3A_98 : vector<1x128x1xf32> to vector<128x1xf32>
    %concatenate3A = tpu.concatenate %dot_general3A_81, %get3A_99 in 1 : vector<128x64xf32>, vector<128x1xf32> -> vector<128x65xf32>
    %get3A_100 = arith.constant 0 : index
    %get3A_101 = arith.constant 0 : index
    %get3A_102 = arith.constant 0 : index
    %get3A_103 = vector.load %arg17[%get3A_100, %get3A_101, %get3A_102] : memref<1x1x1xf32, #tpu.memory_space<vmem>>, vector<1x1x1xf32>
    %get3A_104 = vector.shape_cast %get3A_103 : vector<1x1x1xf32> to vector<1x1xf32>
    %sub3A = arith.constant 1.000000e+00 : f32
    %sub3A_105 = vector.broadcast %sub3A : f32 to vector<1x1xf32>
    %sub3A_106 = arith.subf %get3A_104, %sub3A_105 : vector<1x1xf32>
    %concatenate3A_107 = tpu.concatenate %add3A_94, %sub3A_106 in 1 : vector<1x64xf32>, vector<1x1xf32> -> vector<1x65xf32>
    %dot_general3A_108 = arith.constant dense<0.000000e+00> : vector<2048x65xf32>
    %dot_general3A_109 = tpu.matmul %max3A_69, %concatenate3A, %dot_general3A_108 {dimension_numbers = #tpu.dot_dimension_numbers<[1], [0], [0], [1], [0, 0, 1, 1], [], []>, transpose_lhs_hint = false} : vector<2048x128xf32>, vector<128x65xf32>, vector<2048x65xf32> -> vector<2048x65xf32>
    %add3A_110 = vector.broadcast %concatenate3A_107 : vector<1x65xf32> to vector<2048x65xf32>
    %add3A_111 = arith.addf %dot_general3A_109, %add3A_110 : vector<2048x65xf32>
    %slice3A_112 = vector.extract_strided_slice %add3A_111 {offsets = [0, 0], sizes = [2048, 64], strides = [1, 1]} : vector<2048x65xf32> to vector<2048x64xf32>
    %get3A_113 = arith.constant 0 : index
    %get3A_114 = arith.constant 0 : index
    %get3A_115 = arith.constant 0 : index
    %get3A_116 = vector.load %arg14[%get3A_113, %get3A_114, %get3A_115] : memref<1x155x64xf32, #tpu.memory_space<vmem>>, vector<1x155x64xf32>
    %get3A_117 = vector.shape_cast %get3A_116 : vector<1x155x64xf32> to vector<155x64xf32>
    %slice3A_118 = vector.extract_strided_slice %get3A_117 {offsets = [128, 0], sizes = [27, 64], strides = [1, 1]} : vector<155x64xf32> to vector<27x64xf32>
    %dot_general3A_119 = arith.constant dense<0.000000e+00> : vector<2048x64xf32>
    %dot_general3A_120 = tpu.matmul %get3A_4, %slice3A_118, %dot_general3A_119 {dimension_numbers = #tpu.dot_dimension_numbers<[1], [0], [0], [1], [0, 0, 1, 1], [], []>, transpose_lhs_hint = false} : vector<2048x27xf32>, vector<27x64xf32>, vector<2048x64xf32> -> vector<2048x64xf32>
    %add3A_121 = arith.addf %slice3A_112, %dot_general3A_120 : vector<2048x64xf32>
    %max3A_122 = arith.constant 0.000000e+00 : f32
    %max3A_123 = vector.broadcast %max3A_122 : f32 to vector<2048x64xf32>
    %max3A_124 = arith.maximumf %add3A_121, %max3A_123 : vector<2048x64xf32>
    %slice3A_125 = vector.extract_strided_slice %add3A_111 {offsets = [0, 64], sizes = [2048, 1], strides = [1, 1]} : vector<2048x65xf32> to vector<2048x1xf32>
    %custom_jvp_call3A = arith.constant 0.000000e+00 : f32
    %max3A_126 = vector.broadcast %custom_jvp_call3A : f32 to vector<2048x1xf32>
    %max3A_127 = arith.maximumf %slice3A_125, %max3A_126 : vector<2048x1xf32>
    %sub3A_128 = vector.broadcast %custom_jvp_call3A : f32 to vector<2048x1xf32>
    %sub3A_129 = arith.subf %slice3A_125, %sub3A_128 : vector<2048x1xf32>
    %ne3A = arith.cmpf one, %sub3A_129, %sub3A_129 : vector<2048x1xf32>
    %add3A_130 = vector.broadcast %custom_jvp_call3A : f32 to vector<2048x1xf32>
    %add3A_131 = arith.addf %slice3A_125, %add3A_130 : vector<2048x1xf32>
    %abs3A = math.absf %sub3A_129 : vector<2048x1xf32>
    %neg3A = arith.constant 0.000000e+00 : f32
    %neg3A_132 = vector.broadcast %neg3A : f32 to vector<2048x1xf32>
    %neg3A_133 = arith.subf %neg3A_132, %abs3A : vector<2048x1xf32>
    %exp3A = math.exp %neg3A_133 : vector<2048x1xf32>
    %log1p3A = math.log1p %exp3A : vector<2048x1xf32>
    %add3A_134 = arith.addf %max3A_127, %log1p3A : vector<2048x1xf32>
    %select_n3A = arith.select %ne3A, %add3A_131, %add3A_134 : vector<2048x1xi1>, vector<2048x1xf32>
    %get3A_135 = arith.constant 0 : index
    %get3A_136 = arith.constant 0 : index
    %get3A_137 = arith.constant 0 : index
    %get3A_138 = vector.load %arg18[%get3A_135, %get3A_136, %get3A_137] : memref<1x64x3xf32, #tpu.memory_space<vmem>>, vector<1x64x3xf32>
    %get3A_139 = vector.shape_cast %get3A_138 : vector<1x64x3xf32> to vector<64x3xf32>
    %dot_general3A_140 = arith.constant dense<0.000000e+00> : vector<2048x3xf32>
    %dot_general3A_141 = tpu.matmul %max3A_124, %get3A_139, %dot_general3A_140 {dimension_numbers = #tpu.dot_dimension_numbers<[1], [0], [0], [1], [0, 0, 1, 1], [], []>, transpose_lhs_hint = false} : vector<2048x64xf32>, vector<64x3xf32>, vector<2048x3xf32> -> vector<2048x3xf32>
    %get3A_142 = arith.constant 0 : index
    %get3A_143 = arith.constant 0 : index
    %get3A_144 = arith.constant 0 : index
    %get3A_145 = vector.load %arg19[%get3A_142, %get3A_143, %get3A_144] : memref<1x1x3xf32, #tpu.memory_space<vmem>>, vector<1x1x3xf32>
    %get3A_146 = vector.shape_cast %get3A_145 : vector<1x1x3xf32> to vector<1x3xf32>
    %add3A_147 = vector.broadcast %get3A_146 : vector<1x3xf32> to vector<2048x3xf32>
    %add3A_148 = arith.addf %dot_general3A_141, %add3A_147 : vector<2048x3xf32>
    %logistic3A = arith.negf %add3A_148 : vector<2048x3xf32>
    %logistic3A_149 = math.exp %logistic3A : vector<2048x3xf32>
    %logistic3A_150 = arith.constant 1.000000e+00 : f32
    %logistic3A_151 = vector.broadcast %logistic3A_150 : f32 to vector<2048x3xf32>
    %logistic3A_152 = arith.addf %logistic3A_151, %logistic3A_149 : vector<2048x3xf32>
    %logistic3A_153 = arith.divf %logistic3A_151, %logistic3A_152 : vector<2048x3xf32>
    %concatenate3A_154 = tpu.concatenate %logistic3A_153, %select_n3A in 1 : vector<2048x3xf32>, vector<2048x1xf32> -> vector<2048x4xf32>
    %get3A_155 = arith.constant 0 : index
    %get3A_156 = arith.constant 0 : index
    %get3A_157 = vector.load %arg1[%get3A_155, %get3A_156] : memref<2048x1xi32, #tpu.memory_space<vmem>>, vector<2048x1xi32>
    %eq3A = vector.broadcast %arg0 : i32 to vector<2048x1xi32>
    %eq3A_158 = arith.cmpi eq, %get3A_157, %eq3A : vector<2048x1xi32>
    %get3A_159 = arith.constant 0 : index
    %get3A_160 = arith.constant 0 : index
    %get3A_161 = arith.constant 0 : index
    %get3A_162 = vector.load %arg20[%get3A_159, %get3A_160, %get3A_161] : memref<2x2048x4xf32, #tpu.memory_space<vmem>>, vector<1x2048x4xf32>
    %get3A_163 = vector.shape_cast %get3A_162 : vector<1x2048x4xf32> to vector<2048x4xf32>
    %broadcast_in_dim3A = vector.shape_cast %eq3A_158 : vector<2048x1xi1> to vector<2048x1xi1>
    %broadcast_in_dim3A_164 = vector.broadcast %broadcast_in_dim3A : vector<2048x1xi1> to vector<2048x4xi1>
    %select_n3A_165 = arith.select %broadcast_in_dim3A_164, %concatenate3A_154, %get3A_163 : vector<2048x4xi1>, vector<2048x4xf32>
    %swap3A = arith.constant 0 : index
    %swap3A_166 = arith.constant 0 : index
    %swap3A_167 = arith.constant 0 : index
    %swap3A_168 = vector.load %arg20[%swap3A, %swap3A_166, %swap3A_167] : memref<2x2048x4xf32, #tpu.memory_space<vmem>>, vector<1x2048x4xf32>
    %swap3A_169 = vector.shape_cast %swap3A_168 : vector<1x2048x4xf32> to vector<2048x4xf32>
    %swap3A_170 = vector.shape_cast %select_n3A_165 : vector<2048x4xf32> to vector<1x2048x4xf32>
    tpu.vector_store %arg20[%swap3A, %swap3A_166, %swap3A_167], %swap3A_170 {strides = array<i32>} : memref<2x2048x4xf32, #tpu.memory_space<vmem>>, vector<1x2048x4xf32>,
    %get3A_171 = arith.constant 0 : index
    %get3A_172 = arith.constant 0 : index
    %get3A_173 = vector.load %arg2[%get3A_171, %get3A_172] : memref<2048x1xi32, #tpu.memory_space<vmem>>, vector<2048x1xi32>
    %eq3A_174 = vector.broadcast %arg0 : i32 to vector<2048x1xi32>
    %eq3A_175 = arith.cmpi eq, %get3A_173, %eq3A_174 : vector<2048x1xi32>
    %get3A_176 = arith.constant 1 : index
    %get3A_177 = arith.constant 0 : index
    %get3A_178 = arith.constant 0 : index
    %get3A_179 = vector.load %arg20[%get3A_176, %get3A_177, %get3A_178] : memref<2x2048x4xf32, #tpu.memory_space<vmem>>, vector<1x2048x4xf32>
    %get3A_180 = vector.shape_cast %get3A_179 : vector<1x2048x4xf32> to vector<2048x4xf32>
    %broadcast_in_dim3A_181 = vector.shape_cast %eq3A_175 : vector<2048x1xi1> to vector<2048x1xi1>
    %broadcast_in_dim3A_182 = vector.broadcast %broadcast_in_dim3A_181 : vector<2048x1xi1> to vector<2048x4xi1>
    %select_n3A_183 = arith.select %broadcast_in_dim3A_182, %concatenate3A_154, %get3A_180 : vector<2048x4xi1>, vector<2048x4xf32>
    %swap3A_184 = arith.constant 1 : index
    %swap3A_185 = arith.constant 0 : index
    %swap3A_186 = arith.constant 0 : index
    %swap3A_187 = vector.load %arg20[%swap3A_184, %swap3A_185, %swap3A_186] : memref<2x2048x4xf32, #tpu.memory_space<vmem>>, vector<1x2048x4xf32>
    %swap3A_188 = vector.shape_cast %swap3A_187 : vector<1x2048x4xf32> to vector<2048x4xf32>
    %swap3A_189 = vector.shape_cast %select_n3A_183 : vector<2048x4xf32> to vector<1x2048x4xf32>
    tpu.vector_store %arg20[%swap3A_184, %swap3A_185, %swap3A_186], %swap3A_189 {strides = array<i32>} : memref<2x2048x4xf32, #tpu.memory_space<vmem>>, vector<1x2048x4xf32>,
    return
  }
  func.func @transform_0(%arg0: i32) -> (i32, i32) {
    %c0_i32 = arith.constant 0 : i32
    %c0_i32_0 = arith.constant 0 : i32
    %c0_i32_1 = arith.constant 0 : i32
    return %c0_i32, %c0_i32_0 : i32, i32
  }
  func.func @transform_1(%arg0: i32) -> (i32, i32) {
    %c0_i32 = arith.constant 0 : i32
    %c0_i32_0 = arith.constant 0 : i32
    %c0_i32_1 = arith.constant 0 : i32
    return %c0_i32, %c0_i32_0 : i32, i32
  }
  func.func @transform_2(%arg0: i32) -> (i32, i32) {
    %c0_i32 = arith.constant 0 : i32
    %c0_i32_0 = arith.constant 0 : i32
    %c0_i32_1 = arith.constant 0 : i32
    return %c0_i32, %c0_i32_0 : i32, i32
  }
  func.func @transform_3(%arg0: i32) -> (i32, i32, i32) {
    %c0_i32 = arith.constant 0 : i32
    %c0_i32_0 = arith.constant 0 : i32
    %c0_i32_1 = arith.constant 0 : i32
    return %arg0, %c0_i32, %c0_i32_0 : i32, i32, i32
  }
  func.func @transform_4(%arg0: i32) -> (i32, i32, i32) {
    %c0_i32 = arith.constant 0 : i32
    %c0_i32_0 = arith.constant 0 : i32
    %c0_i32_1 = arith.constant 0 : i32
    return %arg0, %c0_i32, %c0_i32_0 : i32, i32, i32
  }
  func.func @transform_5(%arg0: i32) -> (i32, i32, i32) {
    %c0_i32 = arith.constant 0 : i32
    %c0_i32_0 = arith.constant 0 : i32
    %c0_i32_1 = arith.constant 0 : i32
    return %arg0, %c0_i32, %c0_i32_0 : i32, i32, i32
  }
  func.func @transform_6(%arg0: i32) -> (i32, i32, i32) {
    %c0_i32 = arith.constant 0 : i32
    %c0_i32_0 = arith.constant 0 : i32
    %c0_i32_1 = arith.constant 0 : i32
    return %arg0, %c0_i32, %c0_i32_0 : i32, i32, i32
  }
  func.func @transform_7(%arg0: i32) -> (i32, i32, i32) {
    %c0_i32 = arith.constant 0 : i32
    %c0_i32_0 = arith.constant 0 : i32
    %c0_i32_1 = arith.constant 0 : i32
    return %arg0, %c0_i32, %c0_i32_0 : i32, i32, i32
  }
  func.func @transform_8(%arg0: i32) -> (i32, i32, i32) {
    %c0_i32 = arith.constant 0 : i32
    %c0_i32_0 = arith.constant 0 : i32
    %c0_i32_1 = arith.constant 0 : i32
    return %arg0, %c0_i32, %c0_i32_0 : i32, i32, i32
  }
  func.func @transform_9(%arg0: i32) -> (i32, i32, i32) {
    %c0_i32 = arith.constant 0 : i32
    %c0_i32_0 = arith.constant 0 : i32
    %c0_i32_1 = arith.constant 0 : i32
    return %arg0, %c0_i32, %c0_i32_0 : i32, i32, i32
  }
  func.func @transform_10(%arg0: i32) -> (i32, i32, i32) {
    %c0_i32 = arith.constant 0 : i32
    %c0_i32_0 = arith.constant 0 : i32
    %c0_i32_1 = arith.constant 0 : i32
    return %arg0, %c0_i32, %c0_i32_0 : i32, i32, i32
  }
  func.func @transform_11(%arg0: i32) -> (i32, i32, i32) {
    %c0_i32 = arith.constant 0 : i32
    %c0_i32_0 = arith.constant 0 : i32
    %c0_i32_1 = arith.constant 0 : i32
    return %arg0, %c0_i32, %c0_i32_0 : i32, i32, i32
  }
  func.func @transform_12(%arg0: i32) -> (i32, i32, i32) {
    %c0_i32 = arith.constant 0 : i32
    %c0_i32_0 = arith.constant 0 : i32
    %c0_i32_1 = arith.constant 0 : i32
    return %arg0, %c0_i32, %c0_i32_0 : i32, i32, i32
  }
  func.func @transform_13(%arg0: i32) -> (i32, i32, i32) {
    %c0_i32 = arith.constant 0 : i32
    %c0_i32_0 = arith.constant 0 : i32
    %c0_i32_1 = arith.constant 0 : i32
    return %arg0, %c0_i32, %c0_i32_0 : i32, i32, i32
  }
  func.func @transform_14(%arg0: i32) -> (i32, i32, i32) {
    %c0_i32 = arith.constant 0 : i32
    %c0_i32_0 = arith.constant 0 : i32
    %c0_i32_1 = arith.constant 0 : i32
    return %arg0, %c0_i32, %c0_i32_0 : i32, i32, i32
  }
  func.func @transform_15(%arg0: i32) -> (i32, i32, i32) {
    %c0_i32 = arith.constant 0 : i32
    %c0_i32_0 = arith.constant 0 : i32
    %c0_i32_1 = arith.constant 0 : i32
    return %arg0, %c0_i32, %c0_i32_0 : i32, i32, i32
  }
  func.func @transform_16(%arg0: i32) -> (i32, i32, i32) {
    %c0_i32 = arith.constant 0 : i32
    %c0_i32_0 = arith.constant 0 : i32
    %c0_i32_1 = arith.constant 0 : i32
    return %arg0, %c0_i32, %c0_i32_0 : i32, i32, i32
  }
  func.func @transform_17(%arg0: i32) -> (i32, i32, i32) {
    %c0_i32 = arith.constant 0 : i32
    %c0_i32_0 = arith.constant 0 : i32
    %c0_i32_1 = arith.constant 0 : i32
    return %arg0, %c0_i32, %c0_i32_0 : i32, i32, i32
  }
  func.func @transform_18(%arg0: i32) -> (i32, i32, i32) {
    %c0_i32 = arith.constant 0 : i32
    %c0_i32_0 = arith.constant 0 : i32
    %c0_i32_1 = arith.constant 0 : i32
    return %arg0, %c0_i32, %c0_i32_0 : i32, i32, i32
  }
  func.func @transform_19(%arg0: i32) -> (i32, i32, i32) {
    %c0_i32 = arith.constant 0 : i32
    %c0_i32_0 = arith.constant 0 : i32
    %c0_i32_1 = arith.constant 0 : i32
    %c0_i32_2 = arith.constant 0 : i32
    return %c0_i32, %c0_i32_0, %c0_i32_1 : i32, i32, i32
  }
}

</mosaic_0001>

<sc_bundles>
// kernel: kernel.4.cloned.1.call-start
scs
__scs_entry_jumppad:
0x0: {  	(pc) =	sbr.rel $0x88, $3  }
0x1: {  	(tag) =	ssettag $0x0;
	lr =	simm.s32 $0x1  }
0x2: {  	[smem:$0x3F8F] =	sst lr;
	_ =	strace $0xD0000000  }
0x3: {  	_ = 	snop  }
0x4: {  	_ = 	snop  }
0x5: {  	_ = 	snop  }
0x6: {  	_ = 	snop  }
0x7: {  	_ = 	snop  }
__scs_overlays_trampoline_lowered:
0x8: {  	[smem:$0x3F9E] =	sst s0  }
0x9: {  	[smem:$0x3F9F] =	sst s1  }
0xa: {  	[smem:$0x3FA0] =	sst s2  }
0xb: {  	[smem:$0x3FA1] =	sst s3  }
0xc: {  	[smem:$0x3FA2] =	sst s4  }
0xd: {  	[smem:$0x3FA3] =	sst s5  }
0xe: {  	[smem:$0x3FA4] =	sst s6  }
0xf: {  	[smem:$0x3FA5] =	sst s7  }
0x10: {  	[smem:$0x3FA6] =	sst s8  }
0x11: {  	[smem:$0x3FA7] =	sst s9;
	s0 =	simm.s32 @!p0 $0x0  }
0x12: {  	s1 =	sld [smem:$0x3F8D];
	s0 =	simm.s32 @p0 $0x1  }
0x13: {  	[smem:$0x3FA8] =	sst s0;
	s0 =	simm.s32 @!p1 $0x0  }
0x14: {  	s2 =	sld [smem:$0x3F8C];
	s0 =	simm.s32 @p1 $0x1  }
0x15: {  	[smem:$0x3FA9] =	sst s0;
	s0 =	simm.s32 @!p2 $0x0  }
0x16: {  	s3 =	sld [smem:$0x3FDB];
	s0 =	simm.s32 @p2 $0x1  }
0x17: {  	s4 =	simm.s32 $0x1BF5;
	[smem:$0x3FAB] =	sst s0  }
0x18: {  	s0 =	sld [smem:$0x3F8E];
	_ =	swait.ge [sflag:s4], $0x0  }
0x19: {  	s7 =	sld [smem:$0x3F8F]  }
0x1a: {  	s8 =	sadd.s32 $0xFFFFE003, lr  }
0x1b: {  	s9 =	sadd.s32 $0xFFFFFEF7, lr;
	s5 =	simm.s32 $0xFFFFFFFF;
	p2 =	slt.u32 s8, $0xFFFFF086  }
0x1c: {  	p1 =	slt.u32 s9, $0xF7A;
	s5 =	simm.s32 @!p2 $0x0  }
0x1d: {  	s5 =	simm.s32 @p1 $0x1;
	p0 =	seq.s32 s7, s2  }
0x1e: {  	s7 =	smul.u32 @!p0 $0xF7A, s2;
	p2 =	seq.s32 @!p0 s5, $0x0  }
0x1f: {  	s9 =	smul.u32 $0xF7A, s1;
	s8 =	simm.s32 @!p0 $0x1BF5;
	p2 =	por !p2, p0  }
0x20: {  	[sflag:s8] =	ssyncset.s32 @!p0 $0xFFFFF086;
	s6 =	sadd.s32 @!p0 s3, s7;
	s7 =	simm.s32 @!p0 $0x108  }
0x21: {  	s3 =	sadd.s32 s3, s9;
	s6 =	sadd.s32 @!p0 $0x88, s6;
	s7 =	simm.s32 @p2 $0x1082  }
0x22: {  	[simem:s7], [sflag:s8] =	dma.local @!p0 [hbm:s6], $0xF7A  }
0x23: {  	s9 =	sor.u32 $0xD0000000, s2;
	s6 =	simm.s32 $0x108;
	_ =	swait.ge @!p0 [sflag:s8], $0x0  }
0x24: {  	s3 =	sadd.s32 $0x88, s3;
	s6 =	simm.s32 @!p1 $0x1082;
	[sflag:s4] =	ssyncset.s32 $0xFFFFF086  }
0x25: {  	[simem:s6], [sflag:s4] =	dma.local [hbm:s3], $0xF7A  }
0x26: {  	[smem:$0x3F8F] =	sst s1;
	(tag) =	ssettag s2;
	_ =	strace s9  }
0x27: {  	s1 =	sld [smem:$0x3F9F]  }
0x28: {  	s2 =	sld [smem:$0x3FA0]  }
0x29: {  	s4 =	sld [smem:$0x3FA2]  }
0x2a: {  	p0 =	seq.s32 s5, $0x0;
	s5 =	sld [smem:$0x3FA3]  }
0x2b: {  	s6 =	sld [smem:$0x3FA4]  }
0x2c: {  	s7 =	sld [smem:$0x3FA5]  }
0x2d: {  	s3 =	simm.s32 $0x108;
	s8 =	sld [smem:$0x3FA6]  }
0x2e: {  	s3 =	simm.s32 @!p0 $0x1082;
	s9 =	sld [smem:$0x3FA7]  }
0x2f: {  	lr =	sadd.s32 s0, s3;
	s0 =	sld [smem:$0x3F9E]  }
0x30: {  	s3 =	sld [smem:$0x3FA1]  }
0x31: {  	[smem:$0x3FAA] =	sst s10  }
0x32: {  	s10 =	sld [smem:$0x3FA8];
	_ =	sdelay $0x3  }
0x33: {  	p0 =	seq.s32 s10, $0x1;
	s10 =	sld [smem:$0x3FAA];
	_ =	sdelay $0x3  }
0x34: {  	[smem:$0x3FAA] =	sst s10  }
0x35: {  	s10 =	sld [smem:$0x3FA9];
	_ =	sdelay $0x3  }
0x36: {  	p1 =	seq.s32 s10, $0x1;
	s10 =	sld [smem:$0x3FAA];
	_ =	sdelay $0x3  }
0x37: {  	[smem:$0x3FAA] =	sst s10  }
0x38: {  	s10 =	sld [smem:$0x3FAB]  }
0x39: {  	_ = 	snop;
	(pc) =	sbr.ind lr, $3  }
0x3a: {  	_ = 	snop  }
0x3b: {  	_ = 	snop  }
0x3c: {  	p2 =	seq.s32 s10, $0x1;
	s10 =	sld [smem:$0x3FAA]  }
0x3d: {  	_ =	shalt  }
0x3e: {  	_ =	shalt  }
0x3f: {  	_ =	shalt  }
0x40: {  	_ =	shalt  }
0x41: {  	_ =	shalt  }
0x42: {  	_ =	shalt  }
0x43: {  	_ =	shalt  }
0x44: {  	_ =	shalt  }
0x45: {  	_ =	shalt  }
0x46: {  	_ =	shalt  }
0x47: {  	_ =	shalt  }
0x48: {  	_ =	shalt  }
0x49: {  	_ =	shalt  }
0x4a: {  	_ =	shalt  }
0x4b: {  	_ =	shalt  }
0x4c: {  	_ =	shalt  }
0x4d: {  	_ =	shalt  }
0x4e: {  	_ =	shalt  }
0x4f: {  	_ =	shalt  }
0x50: {  	_ =	shalt  }
0x51: {  	_ =	shalt  }
0x52: {  	_ =	shalt  }
0x53: {  	_ =	shalt  }
0x54: {  	_ =	shalt  }
0x55: {  	_ =	shalt  }
0x56: {  	_ =	shalt  }
0x57: {  	_ =	shalt  }
0x58: {  	_ =	shalt  }
0x59: {  	_ =	shalt  }
0x5a: {  	_ =	shalt  }
0x5b: {  	_ =	shalt  }
0x5c: {  	_ =	shalt  }
0x5d: {  	_ =	shalt  }
0x5e: {  	_ =	shalt  }
0x5f: {  	_ =	shalt  }
0x60: {  	_ =	shalt  }
0x61: {  	_ =	shalt  }
0x62: {  	_ =	shalt  }
0x63: {  	_ =	shalt  }
0x64: {  	_ =	shalt  }
0x65: {  	_ =	shalt  }
0x66: {  	_ =	shalt  }
0x67: {  	_ =	shalt  }
0x68: {  	_ =	shalt  }
0x69: {  	_ =	shalt  }
0x6a: {  	_ =	shalt  }
0x6b: {  	_ =	shalt  }
0x6c: {  	_ =	shalt  }
0x6d: {  	_ =	shalt  }
0x6e: {  	_ =	shalt  }
0x6f: {  	_ =	shalt  }
0x70: {  	_ =	shalt  }
0x71: {  	_ =	shalt  }
0x72: {  	_ =	shalt  }
0x73: {  	_ =	shalt  }
0x74: {  	_ =	shalt  }
0x75: {  	_ =	shalt  }
0x76: {  	_ =	shalt  }
0x77: {  	_ =	shalt  }
0x78: {  	_ =	shalt  }
0x79: {  	_ =	shalt  }
0x7a: {  	_ =	shalt  }
0x7b: {  	_ =	shalt  }
0x7c: {  	_ =	shalt  }
0x7d: {  	_ =	shalt  }
0x7e: {  	_ =	shalt  }
0x7f: {  	_ =	shalt  }
0x80: {  	_ =	shalt  }
0x81: {  	_ =	shalt  }
0x82: {  	_ =	shalt  }
0x83: {  	_ =	shalt  }
0x84: {  	_ =	shalt  }
0x85: {  	_ =	shalt  }
0x86: {  	_ =	shalt  }
0x87: {  	_ =	shalt  }
.Lfunc_end0:
.L_simem_size_0:
called_computation_lowered:
.L_overlay_start_0:
0x88: {  	s2 =	sld [smem:$0x3FD9]  }
0x89: {  	s3 =	sld [smem:$0x3FFE];
	_ =	sdelay $0x1  }
0x8a: {  	s1 =	srdreg.scid  }
0x8b: {  	s0 =	sand.u32 $0x1, s1  }
0x8c: {  	s17 =	sshll.u32 s0, $0xA;
	s2 =	sadd.s32 s3, s2  }
0x8d: {  	s2 =	sadd.s32 s2, s17  }
0x8e: {  	[smem:$0x3FB6] =	sst s2  }
0x8f: {  	_ = 	snop  }
0x90: {  	s2 =	sld [smem:$0x3FD0];
	(tm) =	ssettm $0x1  }
0x91: {  	s18 =	sld [smem:$0x3FFB];
	_ =	sdelay $0x3  }
0x92: {  	_ =	strace s18  }
0x93: {  	s3 =	sld [smem:$0x3FFC];
	_ =	sdelay $0x3  }
0x94: {  	_ =	strace s3  }
0x95: {  	s3 =	sld [smem:$0x3FFD];
	_ =	sdelay $0x3  }
0x96: {  	_ =	strace s3  }
0x97: {  	_ =	strace $0x8FFFFFFF  }
0x98: {  	s19 =	sld [smem:$0x3FDB];
	_ =	sdelay $0x1  }
0x99: {  	s4 =	simm.s32 $_scs_section_size  }
0x9a: {  	s5 =	simm.s32 $_size__tile_overlayer_lowered;
	s6 =	simm.s32 $_tile_overlayer_lowered  }
0x9b: {  	s22 =	simm.s32 $0x1BFF;
	s21 =	sshll.u32 s6, $0x1;
	s3 =	sadd.s32 s4, s19  }
0x9c: {  	s7 =	simm.s32 $0x0;
	s20 =	sshll.u32 s5, $0x1;
	s5 =	sadd.s32 s21, s3  }
0x9d: {  	[timem:s7], [sflag:s22] =	dma.local [hbm:s5], s20  }
0x9e: {  	_ =	swait.ge [sflag:s22], s20  }
0x9f: {  	s4 =	ssub.s32 $0x0, s20;
	[sflag:s22] =	ssyncset.done $0x0  }
0xa0: {  	[sflag:s22] =	ssyncadd.s32 s4;
	_ =	sdelay $0x1  }
0xa1: {  	s23 =	simm.s32 $0x1B8B  }
0xa2: {  	_ =	swait.ge [sflag:s23], $0x1  }
0xa3: {  	[sflag:s23] =	ssyncset.done $0x0  }
0xa4: {  	s25 =	simm.s32 $0x1B8E;
	s24 =	sld [smem:$0x3FFE];
	[sflag:s23] =	ssyncadd.s32 $0xFFFFFFFF  }
0xa5: {  	s26 =	simm.s32 $execute0_lowered;
	[smem:$0x3FD2] =	sst s25  }
0xa6: {  	s5 =	sshll.u32 s26, $0x1;
	_ =	strace $0x80000046;
	[dreg:$0x1] =	wrdreg $0xFFFFFFFF  }
0xa7: {  	s28 =	simm.s32 $_size_execute0_lowered;
	s3 =	sadd.s32 s3, s5;
	[dreg:$0x0] =	wrdreg $0x0  }
0xa8: {  	s5 =	sshll.u32 s28, $0x1;
	[dreg:$0x2] =	wrdreg s3  }
0xa9: {  	[dreg:$0x3] =	wrdreg s5  }
0xaa: {  	[dreg:$0x4] =	wrdreg $0xC0  }
0xab: {  	_ =	task [dreg:s7], $0x5FFFF  }
0xac: {  	[dreg:$0x1] =	wrdreg $0xFFFFFFFF  }
0xad: {  	[dreg:$0x0] =	wrdreg $0x60  }
0xae: {  	[dreg:$0x2] =	wrdreg s24  }
0xaf: {  	[dreg:$0x3] =	wrdreg s2  }
0xb0: {  	[dreg:$0x4] =	wrdreg $0x9  }
0xb1: {  	_ =	task.clear_ibuf [dreg:s7], $0x5FFFF;
	_ =	strace $0x90000046  }
0xb2: {  	s29 =	simm.s32 $0x9;
	_ =	strace $0x80000048  }
0xb3: {  	_ =	swait.ge [sflag:s29], $0x1  }
0xb4: {  	[sflag:s29] =	ssyncadd.s32 $0xFFFFFFFF  }
0xb5: {  	_ =	strace $0x90000048  }
0xb6: {  	_ =	sfence  }
0xb7: {  	s30 =	sld [smem:$0x0];
	_ =	sdelay $0x2  }
0xb8: {  	s31 =	sshll.u32 s1, $0xD;
	s1 =	sshrl.u32 s1, $0x2  }
0xb9: {  	s3 =	sand.u32 $0x4000, s31;
	s1 =	sadd.s32 s1, s30  }
0xba: {  	s0 =	sor.u32 s3, s0;
	s1 =	sshll.u32 s1, $0x11  }
0xbb: {  	s0 =	sor.u32 s1, s0  }
0xbc: {  	s0 =	sadd.s32 $0x8F2B, s0  }
0xbd: {  	[sflag:s0] =	ssyncadd.remote.s32 $0x1  }
0xbe: {  	_ =	sfence.sel $0xFFFF  }
0xbf: {  	[dreg:$0x0] =	wrdreg $0xFFFFFFFF;
	(pc) =	sbr.abs _section_cstart, $3  }
0xc0: {  	[dreg:$0x1] =	wrdreg $0xFFFFFFFF  }
0xc1: {  	_ =	task.clear_ibuf [dreg:s7], $0x2FFFF;
	_ =	strace $0x9FFFFFFF  }
0xc2: {  	(tm) =	ssettm $0x7FFFFFFF  }
0xc3: {  	_ =	shalt  }
tec
execute0_lowered:
.L_overlay_start_1:
0x0: {  	(tag) =	ssettag $0x1  }
0x1: {  	s3 =	rddreg [dreg:$0x0]  }
0x2: {  	s4 =	rddreg [dreg:$0x1]  }
0x3: {  	s0 =	rddreg [dreg:$0x2]  }
0x4: {  	s5 =	srdreg.scid;
	s1 =	stileid.u32  }
0x5: {  	s2 =	simm.s32 $0x0;
	s5 =	sand.u32 $0x1, s5;
	s6 =	sshll.u32 s1, $0x1  }
0x6: {  	s10 =	simm.s32 $0x0;
	[smem:$0x7FF] =	sst s2;
	s6 =	sor.u32 s5, s6  }
0x7: {  	_ =	strace $0x80000047;
	s5 =	ssub.s32 $0x2, s5;
	s7 =	sshll.u32 s6, $0xA  }
0x8: {  	s6 =	sshll.u32 s6, $0x3;
	s31 =	sshrl.u32 s5, $0x1;
	s7 =	sadd.s32 s7, s3  }
0x9: {  	s8 =	sadd.s32 s6, s3;
	s9 =	ssub.s32 s5, s31;
	s4 =	sadd.s32 s4, s6  }
0xa: {  	s3 =	sadd.s32 $0x2400, s7;
	s5 =	sadd.s32 $0xA400, s8;
	s6 =	smax.u32 s9, $0x1  }
0xb: {  	s7 =	simm.s32 $0x1;
	s8 =	simm.s32 $0x2000;
	s9 =	simm.s32 $0x2080  }
.LBB2_1:
0xc: {  	[tilespmem:s2], [sflag:$0x1] =	stream.linear.gather [hbm4b:s3+s2], $0x2000, $0x38;
	[tilespmem:$0x2100] =	vst v63  }
0xd: {  	_ =	swait.ge [sflag:s7], $0x2000  }
0xe: {  	[sflag:s7] =	ssyncset.done $0x0  }
0xf: {  	[sflag:s7] =	ssyncadd.s32 $0xFFFFE000  }
0x10: {  	v0 =	vld [tilespmem:s2+$0x0];
	_ =	sdelay $0x3  }
0x11: {  	v2 =	vimm.s32 $0x80000000;
	v1 =	vimm.s32 $0x0;
	v4 =	vimm.s32 $0x80000000  }
0x12: {  	s12 =	simm.s32 $0x1;
	s13 =	simm.s32 $0x80;
	s11 =	simm.s32 $0x0;
	v3 =	vimm.s32 $0x0;
	vm0 =	vlt.s32 v0, $0x0;
	v5 =	vxor.u32 $0x7FFFFFFF, v0  }
.LBB2_2:
0x13: {  	p0 =	sne.s32 s12, $0x3F;
	v5 =	vsel vm0, v5, v0;
	v0 =	vld [tilespmem:s13+$0x0];
	s14 =	smov.u32 s12;
	s12 =	sadd.s32 $0x1, s12  }
.Ltmp0:
0x14: {  	vm0 =	vgt.s32 v5, v2;
	(pc) =	sbr.rel @p0 .LBB2_2-.Ltmp0, $4  }
0x15: {  	vm1 =	vgt.s32 v5, v4;
	v2 =	vsel vm0, v5, v2;
	v1 =	vsel vm0, s11, v1  }
0x16: {  	v2 =	vsel vm1, v4, v2;
	v1 =	vsel vm1, v3, v1;
	v4 =	vsel vm1, v5, v4  }
0x17: {  	v3 =	vsel vm1, s11, v3;
	s11 =	smov.u32 s14  }
0x18: {  	s13 =	sadd.s32 $0x80, s13;
	vm0 =	vlt.s32 v0, $0x0;
	v5 =	vxor.u32 $0x7FFFFFFF, v0  }
0x19: {  	v0 =	vsel vm0, v5, v0  }
0x1a: {  	vm0 =	vgt.s32 v0, v2;
	vm1 =	vgt.s32 v0, v4  }
0x1b: {  	v0 =	vsel vm0, s11, v1;
	v1 =	vsel vm1, s11, v3  }
0x1c: {  	v0 =	vsel vm1, v3, v0;
	[tilespmem:$0x2000] =	vst v1  }
0x1d: {  	s31 =	simm.s32 $0x10;
	[tilespmem:$0x2080] =	vst v0  }
0x1e: {  	v0 =	vld [tilespmem:s31+$0x0];
	_ =	sdelay $0x3  }
0x1f: {  	v2 =	vimm.s32 $0x80000000;
	v4 =	vimm.s32 $0x80000000;
	v1 =	vimm.s32 $0x0  }
0x20: {  	s12 =	simm.s32 $0x1;
	s13 =	simm.s32 $0x90;
	s11 =	simm.s32 $0x0;
	v3 =	vimm.s32 $0x0;
	vm0 =	vlt.s32 v0, $0x0;
	v5 =	vxor.u32 $0x7FFFFFFF, v0  }
.LBB2_4:
0x21: {  	p0 =	sne.s32 s12, $0x3F;
	v5 =	vsel vm0, v5, v0;
	v0 =	vld [tilespmem:s13+$0x0];
	s14 =	smov.u32 s12;
	s12 =	sadd.s32 $0x1, s12  }
.Ltmp1:
0x22: {  	vm0 =	vgt.s32 v5, v2;
	(pc) =	sbr.rel @p0 .LBB2_4-.Ltmp1, $4  }
0x23: {  	vm1 =	vgt.s32 v5, v4;
	v2 =	vsel vm0, v5, v2;
	v1 =	vsel vm0, s11, v1  }
0x24: {  	v2 =	vsel vm1, v4, v2;
	v1 =	vsel vm1, v3, v1;
	v4 =	vsel vm1, v5, v4  }
0x25: {  	v3 =	vsel vm1, s11, v3;
	s11 =	smov.u32 s14  }
0x26: {  	s13 =	sadd.s32 $0x80, s13;
	vm0 =	vlt.s32 v0, $0x0;
	v5 =	vxor.u32 $0x7FFFFFFF, v0  }
0x27: {  	v0 =	vsel vm0, v5, v0  }
0x28: {  	vm0 =	vgt.s32 v0, v2;
	vm1 =	vgt.s32 v0, v4  }
0x29: {  	v0 =	vsel vm0, s11, v1;
	v1 =	vsel vm1, s11, v3  }
0x2a: {  	v0 =	vsel vm1, v3, v0;
	[tilespmem:$0x2010] =	vst v1  }
0x2b: {  	s31 =	simm.s32 $0x20;
	[tilespmem:$0x2090] =	vst v0  }
0x2c: {  	v0 =	vld [tilespmem:s31+$0x0];
	_ =	sdelay $0x3  }
0x2d: {  	v2 =	vimm.s32 $0x80000000;
	v4 =	vimm.s32 $0x80000000;
	v1 =	vimm.s32 $0x0  }
0x2e: {  	s12 =	simm.s32 $0x1;
	s13 =	simm.s32 $0xA0;
	s11 =	simm.s32 $0x0;
	v3 =	vimm.s32 $0x0;
	vm0 =	vlt.s32 v0, $0x0;
	v5 =	vxor.u32 $0x7FFFFFFF, v0  }
.LBB2_6:
0x2f: {  	p0 =	sne.s32 s12, $0x3F;
	v5 =	vsel vm0, v5, v0;
	v0 =	vld [tilespmem:s13+$0x0];
	s14 =	smov.u32 s12;
	s12 =	sadd.s32 $0x1, s12  }
.Ltmp2:
0x30: {  	vm0 =	vgt.s32 v5, v2;
	(pc) =	sbr.rel @p0 .LBB2_6-.Ltmp2, $4  }
0x31: {  	vm1 =	vgt.s32 v5, v4;
	v2 =	vsel vm0, v5, v2;
	v1 =	vsel vm0, s11, v1  }
0x32: {  	v2 =	vsel vm1, v4, v2;
	v1 =	vsel vm1, v3, v1;
	v4 =	vsel vm1, v5, v4  }
0x33: {  	v3 =	vsel vm1, s11, v3;
	s11 =	smov.u32 s14  }
0x34: {  	s13 =	sadd.s32 $0x80, s13;
	vm0 =	vlt.s32 v0, $0x0;
	v5 =	vxor.u32 $0x7FFFFFFF, v0  }
0x35: {  	v0 =	vsel vm0, v5, v0  }
0x36: {  	vm0 =	vgt.s32 v0, v2;
	vm1 =	vgt.s32 v0, v4  }
0x37: {  	v0 =	vsel vm0, s11, v1;
	v1 =	vsel vm1, s11, v3  }
0x38: {  	v0 =	vsel vm1, v3, v0;
	[tilespmem:$0x2020] =	vst v1  }
0x39: {  	s31 =	simm.s32 $0x30;
	[tilespmem:$0x20A0] =	vst v0  }
0x3a: {  	v0 =	vld [tilespmem:s31+$0x0];
	_ =	sdelay $0x3  }
0x3b: {  	v2 =	vimm.s32 $0x80000000;
	v4 =	vimm.s32 $0x80000000;
	v1 =	vimm.s32 $0x0  }
0x3c: {  	s12 =	simm.s32 $0x1;
	s13 =	simm.s32 $0xB0;
	s11 =	simm.s32 $0x0;
	v3 =	vimm.s32 $0x0;
	vm0 =	vlt.s32 v0, $0x0;
	v5 =	vxor.u32 $0x7FFFFFFF, v0  }
.LBB2_8:
0x3d: {  	p0 =	sne.s32 s12, $0x3F;
	v5 =	vsel vm0, v5, v0;
	v0 =	vld [tilespmem:s13+$0x0];
	s14 =	smov.u32 s12;
	s12 =	sadd.s32 $0x1, s12  }
.Ltmp3:
0x3e: {  	vm0 =	vgt.s32 v5, v2;
	(pc) =	sbr.rel @p0 .LBB2_8-.Ltmp3, $4  }
0x3f: {  	vm1 =	vgt.s32 v5, v4;
	v2 =	vsel vm0, v5, v2;
	v1 =	vsel vm0, s11, v1  }
0x40: {  	v2 =	vsel vm1, v4, v2;
	v1 =	vsel vm1, v3, v1;
	v4 =	vsel vm1, v5, v4  }
0x41: {  	v3 =	vsel vm1, s11, v3;
	s11 =	smov.u32 s14  }
0x42: {  	s13 =	sadd.s32 $0x80, s13;
	vm0 =	vlt.s32 v0, $0x0;
	v5 =	vxor.u32 $0x7FFFFFFF, v0  }
0x43: {  	v0 =	vsel vm0, v5, v0  }
0x44: {  	vm0 =	vgt.s32 v0, v2;
	vm1 =	vgt.s32 v0, v4  }
0x45: {  	v62 =	vsel vm0, s11, v1;
	v63 =	vsel vm1, s11, v3  }
0x46: {  	v0 =	vsel vm1, v3, v62;
	[tilespmem:$0x2030] =	vst v63  }
0x47: {  	[tilespmem:$0x20B0] =	vst v0  }
0x48: {  	[hbm4b:s4+s2] =	stream.linear.scatter [tilespmem:s8], [sflag:$0x1], $0x40, $0x38;
	[tilespmem:$0x2100] =	vst v63  }
0x49: {  	s10 =	sadd.s32 $0x1, s10;
	_ =	swait.ge [sflag:s7], $0x40  }
0x4a: {  	p0 =	sne.s32 s10, s6;
	[sflag:s7] =	ssyncset.done $0x0  }
.Ltmp4:
0x4b: {  	[sflag:s7] =	ssyncadd.s32 $0xFFFFFFC0;
	(pc) =	sbr.rel @p0 .LBB2_1-.Ltmp4, $4  }
0x4c: {  	[hbm4b:s5+s2] =	stream.linear.scatter [tilespmem:s9], [sflag:$0x1], $0x40, $0x38;
	[tilespmem:$0x2100] =	vst v63  }
0x4d: {  	_ =	swait.ge [sflag:s7], $0x40  }
0x4e: {  	[sflag:s7] =	ssyncset.done $0x0  }
0x4f: {  	[sflag:s7] =	ssyncadd.s32 $0xFFFFFFC0  }
0x50: {  	_ =	sfence.sel $0x180000  }
0x51: {  	[bflag:$0x0] =	sbarrier.arrive $0xFFFF  }
0x52: {  	p0 =	sne.s32 s1, $0x0;
	_ =	strace $0x90000047  }
0x53: {  	s0 =	sadd.s32 @!p0 $0x100000, s0;
	[bflag:$0x2] =	sbarrier.arrive $0xFFFF  }
0x54: {  	[sflag:s0] =	ssyncadd.tile.s32 @!p0 $0x1;
	_ =	shalt  }
.Lfunc_end2:
_tile_overlayer_lowered:
.L_overlay_start_2:
0x55: {  	(tag) =	ssettag $0x2  }
0x56: {  	s0 =	rddreg [dreg:$0x0];
	s2 =	stileid.u32  }
0x57: {  	s1 =	rddreg [dreg:$0x1];
	p0 =	sne.s32 s2, $0x0  }
0x58: {  	s3 =	rddreg [dreg:$0x2];
	[bflag:$0x3] =	sbarrier.arrive $0xFFFF;
	s2 =	simm.s32 @!p0 $0x1C01  }
0x59: {  	[timem:s3], [sflag:s2] =	dma.local @!p0 [hbm:s0], s1  }
0x5a: {  	s0 =	simm.s32 @!p0 $0x1  }
0x5b: {  	_ =	swait.ge @!p0 [sflag:s0], s1  }
0x5c: {  	s1 =	ssub.s32 @!p0 $0x0, s1;
	[sflag:s0] =	ssyncset.done @!p0 $0x0  }
0x5d: {  	[sflag:s0] =	ssyncadd.s32 @!p0 s1  }
0x5e: {  	[bflag:$0x3] =	sbarrier.arrive $0xFFFF  }
0x5f: {  	_ =	shalt  }

</sc_bundles>
